<compile_context>
chip_gen: v7x
topology: tpu7x:2x2x1
jax: 0.10.2.dev20260603
libtpu: 0.0.44.dev20260713+nightly
codegen_flags: <defaults>
</compile_context>

<pallas_src>
import functools

import jax
import jax.numpy as jnp
from jax import lax
from jax.experimental import pallas as pl
from jax.experimental.pallas import tpu as pltpu
from jax.experimental.pallas import tpu_sc as plsc

N = 18432
K = 8192
D = 256
MB = 512
NR = N // MB
KB = 128
NC = K // KB
COST = 0.25
KHI = 64
KLO = 128

_I32_BIG = 2 ** 30


def _argmin_body(zn_ref, z_ref, et2_ref, en_ref, idx_ref, loss_ref, perp_ref,
                 nact_ref, cnt_ref, acc_ref):
    i = pl.program_id(0)
    z = z_ref[...]
    zn = zn_ref[...]
    run_d = None
    run_c = None
    for c in range(NC):
        dot2 = jnp.dot(z, et2_ref[:, c * KB:(c + 1) * KB],
                       preferred_element_type=jnp.float32)
        s = (zn - dot2) + en_ref[:, c * KB:(c + 1) * KB]
        if c == 0:
            run_d = s
            run_c = jnp.zeros((MB, KB), jnp.int32)
        else:
            m = s < run_d
            run_d = jnp.minimum(s, run_d)
            run_c = jnp.where(m, c, run_c)
    smin = jnp.min(run_d, axis=1, keepdims=True)
    cmin = jnp.sqrt(jnp.maximum(smin, 0.0))
    run_d = jnp.sqrt(jnp.maximum(run_d, 0.0))
    iota = lax.broadcasted_iota(jnp.int32, (MB, KB), 1)
    gidx = run_c * KB + iota
    bidx = jnp.min(jnp.where(run_d == cmin, gidx, _I32_BIG),
                   axis=1, keepdims=True)
    idx_ref[...] = bidx

    lsum = jnp.sum(jnp.maximum(smin, 0.0)).reshape(1, 1)

    hi1 = (lax.broadcasted_iota(jnp.int32, (MB, KHI), 1)
           == (bidx >> 7)).astype(jnp.float32)
    lo1 = (lax.broadcasted_iota(jnp.int32, (MB, KLO), 1)
           == (bidx & (KLO - 1))).astype(jnp.float32)
    hist = jax.lax.dot_general(hi1, lo1, (((0,), (0,)), ((), ())),
                               preferred_element_type=jnp.float32)

    @pl.when(i == 0)
    def _():
        acc_ref[...] = lsum
        cnt_ref[...] = hist

    @pl.when(i > 0)
    def _():
        acc_ref[...] = acc_ref[...] + lsum
        cnt_ref[...] = cnt_ref[...] + hist

    @pl.when(i == NR - 1)
    def _():
        loss_ref[...] = COST * (acc_ref[...] / jnp.float32(N * D))
        avg = cnt_ref[...] / jnp.float32(N)
        ent = jnp.sum(avg * jnp.log(avg + 1e-10)).reshape(1, 1)
        perp_ref[...] = jnp.exp(-ent)
        nact_ref[...] = jnp.sum((avg > 0.001).astype(jnp.int32)).reshape(1, 1)


def _argmin_call(zn, z_e, et2, en):
    return pl.pallas_call(
        _argmin_body,
        grid=(NR,),
        in_specs=[
            pl.BlockSpec((MB, 1), lambda i: (i, 0)),
            pl.BlockSpec((MB, D), lambda i: (i, 0)),
            pl.BlockSpec((D, K), lambda i: (0, 0)),
            pl.BlockSpec((1, K), lambda i: (0, 0)),
        ],
        out_specs=[
            pl.BlockSpec((MB, 1), lambda i: (i, 0)),
            pl.BlockSpec((1, 1), lambda i: (0, 0)),
            pl.BlockSpec((1, 1), lambda i: (0, 0)),
            pl.BlockSpec((1, 1), lambda i: (0, 0)),
        ],
        out_shape=[
            jax.ShapeDtypeStruct((N, 1), jnp.int32),
            jax.ShapeDtypeStruct((1, 1), jnp.float32),
            jax.ShapeDtypeStruct((1, 1), jnp.float32),
            jax.ShapeDtypeStruct((1, 1), jnp.int32),
        ],
        scratch_shapes=[
            pltpu.VMEM((KHI, KLO), jnp.float32),
            pltpu.VMEM((1, 1), jnp.float32),
        ],
    )(zn, z_e, et2, en)


_SC_INFO = plsc.get_sparse_core_info()
_NW = _SC_INFO.num_cores * _SC_INFO.num_subcores
_BW = N // _NW
_CH = 192
_NCH = _BW // _CH


@functools.partial(
    pl.kernel,
    mesh=plsc.VectorSubcoreMesh(core_axis_name="c", subcore_axis_name="s"),
    out_type=jax.ShapeDtypeStruct((N, D), jnp.float32),
    scratch_types=[
        pltpu.VMEM((_BW,), jnp.int32),
        pltpu.VMEM((_CH, D), jnp.float32),
        pltpu.VMEM((_CH, D), jnp.float32),
        pltpu.SemaphoreType.DMA,
        pltpu.SemaphoreType.DMA,
        pltpu.SemaphoreType.DMA,
        pltpu.SemaphoreType.DMA,
    ],
)
def _gather_rows(emb_hbm, idx_hbm, out_hbm, idx_v, b0, b1, g0, g1, w0, w1):
    wid = lax.axis_index("s") * _SC_INFO.num_cores + lax.axis_index("c")
    base = wid * _BW
    pltpu.sync_copy(idx_hbm.at[pl.ds(base, _BW)], idx_v)
    bufs, gsems, wsems = (b0, b1), (g0, g1), (w0, w1)
    gathers = [None] * _NCH
    writes = [None] * _NCH
    gathers[0] = pltpu.async_copy(
        emb_hbm.at[idx_v.at[pl.ds(0, _CH)]], bufs[0], gsems[0])
    for j in range(_NCH):
        nxt = j + 1
        if nxt < _NCH:
            if nxt - 2 >= 0:
                writes[nxt - 2].wait()
            gathers[nxt] = pltpu.async_copy(
                emb_hbm.at[idx_v.at[pl.ds(nxt * _CH, _CH)]],
                bufs[nxt % 2], gsems[nxt % 2])
        gathers[j].wait()
        writes[j] = pltpu.async_copy(
            bufs[j % 2], out_hbm.at[pl.ds(base + j * _CH, _CH)], wsems[j % 2])
    writes[_NCH - 2].wait()
    writes[_NCH - 1].wait()


def _zst_body(z_ref, q_ref, zst_ref):
    z = z_ref[...]
    zst_ref[...] = z + (q_ref[...] - z)


def _zst_call(z_e, z_q):
    return pl.pallas_call(
        _zst_body,
        grid=(NR,),
        in_specs=[
            pl.BlockSpec((MB, D), lambda i: (i, 0)),
            pl.BlockSpec((MB, D), lambda i: (i, 0)),
        ],
        out_specs=pl.BlockSpec((MB, D), lambda i: (i, 0)),
        out_shape=jax.ShapeDtypeStruct((N, D), jnp.float32),
    )(z_e, z_q)


def kernel(z_e, embeddings):
    zn = jnp.sum(z_e ** 2, axis=1, keepdims=True)
    en = jnp.sum(embeddings ** 2, axis=1)[None, :]
    et2 = embeddings.T * 2.0
    idx2, loss, perp, nact = _argmin_call(zn, z_e, et2, en)
    indices = idx2.reshape(N)
    z_q = _gather_rows(embeddings, indices)
    zst = _zst_call(z_e, z_q)
    return (zst, indices, loss[0, 0], perp[0, 0], nact[0, 0])

# --- scband reference (transcript-rebuilt; emitter-appended) ---
"""Pipeline reference for scband-emavector-quantizer-41549513621534 (READ-ONLY COPY).

The authoritative reference and input builder live on the scoring server;
editing this copy changes nothing except your own understanding.
"""

import jax, jax.numpy as jnp
import numpy as np

NUM_CODES = 8192
EMBED_DIM = 256
COMMITMENT_COST = 0.25


def setup_inputs(seed: int = 0) -> dict:
    key = jax.random.key(seed)
    k1, k2 = jax.random.split(key)
    z_e = jax.random.normal(k1, (18432, EMBED_DIM), dtype=jnp.float32)
    embeddings = jax.random.normal(k2, (NUM_CODES, EMBED_DIM), dtype=jnp.float32)
    return {"z_e": z_e, "embeddings": embeddings}


def reference(z_e, embeddings):
    # torch.cdist(z_e, embeddings): euclidean distances [N, K]
    sq = (
        jnp.sum(z_e ** 2, axis=1, keepdims=True)
        - 2.0 * (z_e @ embeddings.T)
        + jnp.sum(embeddings ** 2, axis=1)[None, :]
    )
    distances = jnp.sqrt(jnp.maximum(sq, 0.0))
    indices = jnp.argmin(distances, axis=-1)
    # F.embedding(indices, embeddings)
    z_q = jnp.take(embeddings, indices, axis=0)
    # commitment loss (eval-mode forward; no EMA buffer updates)
    commitment_loss = COMMITMENT_COST * jnp.mean(
        (jax.lax.stop_gradient(z_q) - z_e) ** 2
    )
    # straight-through estimator
    z_q_st = z_e + jax.lax.stop_gradient(z_q - z_e)
    encodings = jax.nn.one_hot(indices, NUM_CODES, dtype=jnp.float32)
    avg_probs = jnp.mean(encodings, axis=0)
    perplexity = jnp.exp(-jnp.sum(avg_probs * jnp.log(avg_probs + 1e-10)))
    n_active = jnp.sum(avg_probs > 0.001)
    return (z_q_st, indices, commitment_loss, perplexity, n_active)

if __name__ == "__main__":
    import jax
    _d = setup_inputs()
    print(jax.jit(kernel)(*tuple(_d.values())))

</pallas_src>

<mosaic_0001>
#map = affine_map<(d0, d1) -> (0, 0)>
#map1 = affine_map<(d0, d1) -> (0)>
module attributes {stable_mosaic.version = 14 : i64} {
  func.func @_gather_rows(%arg0: i32, %arg1: i32, %arg2: memref<8192x256xf32, #tpu.memory_space<hbm>>, %arg3: memref<18432xi32, #tpu.memory_space<hbm>>, %arg4: memref<18432x256xf32, #tpu.memory_space<hbm>>, %arg5: memref<576xi32, #tpu.memory_space<vmem>>, %arg6: memref<192x256xf32, #tpu.memory_space<vmem>>, %arg7: memref<192x256xf32, #tpu.memory_space<vmem>>, %arg8: memref<!tpu.dma_semaphore, #tpu.memory_space<semaphore_mem>>, %arg9: memref<!tpu.dma_semaphore, #tpu.memory_space<semaphore_mem>>, %arg10: memref<!tpu.dma_semaphore, #tpu.memory_space<semaphore_mem>>, %arg11: memref<!tpu.dma_semaphore, #tpu.memory_space<semaphore_mem>>) attributes {dimension_semantics = [#tpu.dimension_semantics<core_parallel>, #tpu.dimension_semantics<subcore_parallel>], iteration_bounds = array<i64: 2, 16>, scalar_prefetch = 0 : i64, scratch_operands = 7 : i64, tpu.core_type = #tpu.core_type<sc_vector_subcore>, window_params = [{transform_indices = #map}, {transform_indices = #map1}, {transform_indices = #map}]} {
    %mul3A = arith.constant 2 : i32
    %mul3A_0 = arith.muli %arg1, %mul3A : i32
    %add3A = arith.addi %mul3A_0, %arg0 : i32
    %mul3A_1 = arith.constant 576 : i32
    %mul3A_2 = arith.muli %add3A, %mul3A_1 : i32
    "tpu.region"() ({
      %run_scoped3A = tpu.sem_alloc : memref<!tpu.dma_semaphore, #tpu.memory_space<semaphore_mem>>
      %dma_start3A_61 = tpu.memref_slice %arg3[%mul3A_2] : memref<18432xi32, #tpu.memory_space<hbm>> -> memref<576xi32, #tpu.memory_space<hbm>>
      %dma_start3A_62 = tpu.memref_slice %arg3[%mul3A_2] : memref<18432xi32, #tpu.memory_space<hbm>> -> memref<576xi32, #tpu.memory_space<hbm>>
      tpu.enqueue_dma source(%dma_start3A_62 : memref<576xi32, #tpu.memory_space<hbm>>) target(%arg5 : memref<576xi32, #tpu.memory_space<vmem>>) target_semaphore(%run_scoped3A : memref<!tpu.dma_semaphore, #tpu.memory_space<semaphore_mem>>)
      %dma_wait3A_63 = tpu.memref_slice %arg3[%mul3A_2] : memref<18432xi32, #tpu.memory_space<hbm>> -> memref<576xi32, #tpu.memory_space<hbm>>
      %dma_wait3A_64 = tpu.memref_slice %arg3[%mul3A_2] : memref<18432xi32, #tpu.memory_space<hbm>> -> memref<576xi32, #tpu.memory_space<hbm>>
      tpu.wait_dma2 semaphore(%run_scoped3A : memref<!tpu.dma_semaphore, #tpu.memory_space<semaphore_mem>>) src(%dma_wait3A_64 : memref<576xi32, #tpu.memory_space<hbm>>) dst(%arg5 : memref<576xi32, #tpu.memory_space<vmem>>)
      tpu.yield
    }) : () -> ()
    %dma_start3A = arith.constant 0 : i32
    %dma_start3A_3 = tpu.memref_slice %arg5[%dma_start3A] : memref<576xi32, #tpu.memory_space<vmem>> -> memref<192xi32, #tpu.memory_space<vmem>>
    %dma_start3A_4 = arith.constant 0 : i32
    %dma_start3A_5 = arith.constant 0 : i32
    %dma_start3A_6 = tpu.memref_slice %arg2[%dma_start3A_4, %dma_start3A_5] : memref<8192x256xf32, #tpu.memory_space<hbm>> -> memref<8192x256xf32, #tpu.memory_space<hbm>>
    tpu.enqueue_indirect_dma source(%dma_start3A_6 : memref<8192x256xf32, #tpu.memory_space<hbm>>) target(%arg6 : memref<192x256xf32, #tpu.memory_space<vmem>>) offsets(%dma_start3A_3 : memref<192xi32, #tpu.memory_space<vmem>>) semaphore(%arg8 : memref<!tpu.dma_semaphore, #tpu.memory_space<semaphore_mem>>)
    %dma_start3A_7 = arith.constant 192 : i32
    %dma_start3A_8 = tpu.memref_slice %arg5[%dma_start3A_7] : memref<576xi32, #tpu.memory_space<vmem>> -> memref<192xi32, #tpu.memory_space<vmem>>
    %dma_start3A_9 = arith.constant 0 : i32
    %dma_start3A_10 = arith.constant 0 : i32
    %dma_start3A_11 = tpu.memref_slice %arg2[%dma_start3A_9, %dma_start3A_10] : memref<8192x256xf32, #tpu.memory_space<hbm>> -> memref<8192x256xf32, #tpu.memory_space<hbm>>
    tpu.enqueue_indirect_dma source(%dma_start3A_11 : memref<8192x256xf32, #tpu.memory_space<hbm>>) target(%arg7 : memref<192x256xf32, #tpu.memory_space<vmem>>) offsets(%dma_start3A_8 : memref<192xi32, #tpu.memory_space<vmem>>) semaphore(%arg9 : memref<!tpu.dma_semaphore, #tpu.memory_space<semaphore_mem>>)
    %dma_wait3A = arith.constant 0 : i32
    %dma_wait3A_12 = tpu.memref_slice %arg5[%dma_wait3A] : memref<576xi32, #tpu.memory_space<vmem>> -> memref<192xi32, #tpu.memory_space<vmem>>
    %dma_wait3A_13 = arith.constant 0 : i32
    %dma_wait3A_14 = arith.constant 0 : i32
    %dma_wait3A_15 = tpu.memref_slice %arg2[%dma_wait3A_13, %dma_wait3A_14] : memref<8192x256xf32, #tpu.memory_space<hbm>> -> memref<8192x256xf32, #tpu.memory_space<hbm>>
    tpu.wait_indirect_dma semaphore(%arg8 : memref<!tpu.dma_semaphore, #tpu.memory_space<semaphore_mem>>) src(%dma_wait3A_15 : memref<8192x256xf32, #tpu.memory_space<hbm>>) dst(%arg6 : memref<192x256xf32, #tpu.memory_space<vmem>>)
    %add3A_16 = arith.constant 0 : i32
    %add3A_17 = arith.addi %mul3A_2, %add3A_16 : i32
    %dma_start3A_18 = arith.constant 0 : i32
    %dma_start3A_19 = tpu.memref_slice %arg4[%add3A_17, %dma_start3A_18] : memref<18432x256xf32, #tpu.memory_space<hbm>> -> memref<192x256xf32, #tpu.memory_space<hbm>>
    %dma_start3A_20 = arith.constant 0 : i32
    %dma_start3A_21 = tpu.memref_slice %arg4[%add3A_17, %dma_start3A_20] : memref<18432x256xf32, #tpu.memory_space<hbm>> -> memref<192x256xf32, #tpu.memory_space<hbm>>
    tpu.enqueue_dma source(%arg6 : memref<192x256xf32, #tpu.memory_space<vmem>>) target(%dma_start3A_21 : memref<192x256xf32, #tpu.memory_space<hbm>>) target_semaphore(%arg10 : memref<!tpu.dma_semaphore, #tpu.memory_space<semaphore_mem>>)
    %dma_wait3A_22 = arith.constant 0 : i32
    %dma_wait3A_23 = tpu.memref_slice %arg4[%add3A_17, %dma_wait3A_22] : memref<18432x256xf32, #tpu.memory_space<hbm>> -> memref<192x256xf32, #tpu.memory_space<hbm>>
    %dma_wait3A_24 = arith.constant 0 : i32
    %dma_wait3A_25 = tpu.memref_slice %arg4[%add3A_17, %dma_wait3A_24] : memref<18432x256xf32, #tpu.memory_space<hbm>> -> memref<192x256xf32, #tpu.memory_space<hbm>>
    tpu.wait_dma2 semaphore(%arg10 : memref<!tpu.dma_semaphore, #tpu.memory_space<semaphore_mem>>) src(%arg6 : memref<192x256xf32, #tpu.memory_space<vmem>>) dst(%dma_wait3A_25 : memref<192x256xf32, #tpu.memory_space<hbm>>)
    %dma_start3A_26 = arith.constant 384 : i32
    %dma_start3A_27 = tpu.memref_slice %arg5[%dma_start3A_26] : memref<576xi32, #tpu.memory_space<vmem>> -> memref<192xi32, #tpu.memory_space<vmem>>
    %dma_start3A_28 = arith.constant 0 : i32
    %dma_start3A_29 = arith.constant 0 : i32
    %dma_start3A_30 = tpu.memref_slice %arg2[%dma_start3A_28, %dma_start3A_29] : memref<8192x256xf32, #tpu.memory_space<hbm>> -> memref<8192x256xf32, #tpu.memory_space<hbm>>
    tpu.enqueue_indirect_dma source(%dma_start3A_30 : memref<8192x256xf32, #tpu.memory_space<hbm>>) target(%arg6 : memref<192x256xf32, #tpu.memory_space<vmem>>) offsets(%dma_start3A_27 : memref<192xi32, #tpu.memory_space<vmem>>) semaphore(%arg8 : memref<!tpu.dma_semaphore, #tpu.memory_space<semaphore_mem>>)
    %dma_wait3A_31 = arith.constant 192 : i32
    %dma_wait3A_32 = tpu.memref_slice %arg5[%dma_wait3A_31] : memref<576xi32, #tpu.memory_space<vmem>> -> memref<192xi32, #tpu.memory_space<vmem>>
    %dma_wait3A_33 = arith.constant 0 : i32
    %dma_wait3A_34 = arith.constant 0 : i32
    %dma_wait3A_35 = tpu.memref_slice %arg2[%dma_wait3A_33, %dma_wait3A_34] : memref<8192x256xf32, #tpu.memory_space<hbm>> -> memref<8192x256xf32, #tpu.memory_space<hbm>>
    tpu.wait_indirect_dma semaphore(%arg9 : memref<!tpu.dma_semaphore, #tpu.memory_space<semaphore_mem>>) src(%dma_wait3A_35 : memref<8192x256xf32, #tpu.memory_space<hbm>>) dst(%arg7 : memref<192x256xf32, #tpu.memory_space<vmem>>)
    %add3A_36 = arith.constant 192 : i32
    %add3A_37 = arith.addi %mul3A_2, %add3A_36 : i32
    %dma_start3A_38 = arith.constant 0 : i32
    %dma_start3A_39 = tpu.memref_slice %arg4[%add3A_37, %dma_start3A_38] : memref<18432x256xf32, #tpu.memory_space<hbm>> -> memref<192x256xf32, #tpu.memory_space<hbm>>
    %dma_start3A_40 = arith.constant 0 : i32
    %dma_start3A_41 = tpu.memref_slice %arg4[%add3A_37, %dma_start3A_40] : memref<18432x256xf32, #tpu.memory_space<hbm>> -> memref<192x256xf32, #tpu.memory_space<hbm>>
    tpu.enqueue_dma source(%arg7 : memref<192x256xf32, #tpu.memory_space<vmem>>) target(%dma_start3A_41 : memref<192x256xf32, #tpu.memory_space<hbm>>) target_semaphore(%arg11 : memref<!tpu.dma_semaphore, #tpu.memory_space<semaphore_mem>>)
    %dma_wait3A_42 = arith.constant 384 : i32
    %dma_wait3A_43 = tpu.memref_slice %arg5[%dma_wait3A_42] : memref<576xi32, #tpu.memory_space<vmem>> -> memref<192xi32, #tpu.memory_space<vmem>>
    %dma_wait3A_44 = arith.constant 0 : i32
    %dma_wait3A_45 = arith.constant 0 : i32
    %dma_wait3A_46 = tpu.memref_slice %arg2[%dma_wait3A_44, %dma_wait3A_45] : memref<8192x256xf32, #tpu.memory_space<hbm>> -> memref<8192x256xf32, #tpu.memory_space<hbm>>
    tpu.wait_indirect_dma semaphore(%arg8 : memref<!tpu.dma_semaphore, #tpu.memory_space<semaphore_mem>>) src(%dma_wait3A_46 : memref<8192x256xf32, #tpu.memory_space<hbm>>) dst(%arg6 : memref<192x256xf32, #tpu.memory_space<vmem>>)
    %add3A_47 = arith.constant 384 : i32
    %add3A_48 = arith.addi %mul3A_2, %add3A_47 : i32
    %dma_start3A_49 = arith.constant 0 : i32
    %dma_start3A_50 = tpu.memref_slice %arg4[%add3A_48, %dma_start3A_49] : memref<18432x256xf32, #tpu.memory_space<hbm>> -> memref<192x256xf32, #tpu.memory_space<hbm>>
    %dma_start3A_51 = arith.constant 0 : i32
    %dma_start3A_52 = tpu.memref_slice %arg4[%add3A_48, %dma_start3A_51] : memref<18432x256xf32, #tpu.memory_space<hbm>> -> memref<192x256xf32, #tpu.memory_space<hbm>>
    tpu.enqueue_dma source(%arg6 : memref<192x256xf32, #tpu.memory_space<vmem>>) target(%dma_start3A_52 : memref<192x256xf32, #tpu.memory_space<hbm>>) target_semaphore(%arg10 : memref<!tpu.dma_semaphore, #tpu.memory_space<semaphore_mem>>)
    %dma_wait3A_53 = arith.constant 0 : i32
    %dma_wait3A_54 = tpu.memref_slice %arg4[%add3A_37, %dma_wait3A_53] : memref<18432x256xf32, #tpu.memory_space<hbm>> -> memref<192x256xf32, #tpu.memory_space<hbm>>
    %dma_wait3A_55 = arith.constant 0 : i32
    %dma_wait3A_56 = tpu.memref_slice %arg4[%add3A_37, %dma_wait3A_55] : memref<18432x256xf32, #tpu.memory_space<hbm>> -> memref<192x256xf32, #tpu.memory_space<hbm>>
    tpu.wait_dma2 semaphore(%arg11 : memref<!tpu.dma_semaphore, #tpu.memory_space<semaphore_mem>>) src(%arg7 : memref<192x256xf32, #tpu.memory_space<vmem>>) dst(%dma_wait3A_56 : memref<192x256xf32, #tpu.memory_space<hbm>>)
    %dma_wait3A_57 = arith.constant 0 : i32
    %dma_wait3A_58 = tpu.memref_slice %arg4[%add3A_48, %dma_wait3A_57] : memref<18432x256xf32, #tpu.memory_space<hbm>> -> memref<192x256xf32, #tpu.memory_space<hbm>>
    %dma_wait3A_59 = arith.constant 0 : i32
    %dma_wait3A_60 = tpu.memref_slice %arg4[%add3A_48, %dma_wait3A_59] : memref<18432x256xf32, #tpu.memory_space<hbm>> -> memref<192x256xf32, #tpu.memory_space<hbm>>
    tpu.wait_dma2 semaphore(%arg10 : memref<!tpu.dma_semaphore, #tpu.memory_space<semaphore_mem>>) src(%arg6 : memref<192x256xf32, #tpu.memory_space<vmem>>) dst(%dma_wait3A_60 : memref<192x256xf32, #tpu.memory_space<hbm>>)
    return
  }
}

module attributes {stable_mosaic.version = 14 : i64} {
  func.func @_argmin_body(%arg0: i32, %arg1: memref<512x1xf32, #tpu.memory_space<vmem>>, %arg2: memref<512x256xf32, #tpu.memory_space<vmem>>, %arg3: memref<256x8192xf32, #tpu.memory_space<vmem>>, %arg4: memref<1x8192xf32, #tpu.memory_space<vmem>>, %arg5: memref<512x1xi32, #tpu.memory_space<vmem>>, %arg6: memref<1x1xf32, #tpu.memory_space<vmem>>, %arg7: memref<1x1xf32, #tpu.memory_space<vmem>>, %arg8: memref<1x1xi32, #tpu.memory_space<vmem>>, %arg9: memref<64x128xf32, #tpu.memory_space<vmem>>, %arg10: memref<1x1xf32, #tpu.memory_space<vmem>>) attributes {dimension_semantics = [#tpu.dimension_semantics<arbitrary>], iteration_bounds = array<i64: 36>, scalar_prefetch = 0 : i64, scratch_operands = 2 : i64, tpu.core_type = #tpu.core_type<tc>, window_params = [{transform_indices = @transform_0, window_bounds = array<i64: 512, 1>}, {transform_indices = @transform_1, window_bounds = array<i64: 512, 256>}, {pipeline_mode = #tpu.pipeline_mode<synchronous>, transform_indices = @transform_2, window_bounds = array<i64: 256, 8192>}, {pipeline_mode = #tpu.pipeline_mode<synchronous>, transform_indices = @transform_3, window_bounds = array<i64: 1, 8192>}, {transform_indices = @transform_4, window_bounds = array<i64: 512, 1>}, {pipeline_mode = #tpu.pipeline_mode<synchronous>, transform_indices = @transform_5, window_bounds = array<i64: 1, 1>}, {pipeline_mode = #tpu.pipeline_mode<synchronous>, transform_indices = @transform_6, window_bounds = array<i64: 1, 1>}, {pipeline_mode = #tpu.pipeline_mode<synchronous>, transform_indices = @transform_7, window_bounds = array<i64: 1, 1>}]} {
    %get3A = arith.constant 0 : index
    %get3A_0 = arith.constant 0 : index
    %get3A_1 = vector.load %arg2[%get3A, %get3A_0] : memref<512x256xf32, #tpu.memory_space<vmem>>, vector<512x256xf32>
    %get3A_2 = arith.constant 0 : index
    %get3A_3 = arith.constant 0 : index
    %get3A_4 = vector.load %arg1[%get3A_2, %get3A_3] : memref<512x1xf32, #tpu.memory_space<vmem>>, vector<512x1xf32>
    %get3A_5 = arith.constant 0 : index
    %get3A_6 = arith.constant 0 : index
    %get3A_7 = vector.load %arg3[%get3A_5, %get3A_6] : memref<256x8192xf32, #tpu.memory_space<vmem>>, vector<256x128xf32>
    %dot_general3A = arith.constant dense<0.000000e+00> : vector<512x128xf32>
    %dot_general3A_8 = tpu.matmul %get3A_1, %get3A_7, %dot_general3A {dimension_numbers = #tpu.dot_dimension_numbers<[1], [0], [0], [1], [0, 0, 1, 1], [], []>, transpose_lhs_hint = false} : vector<512x256xf32>, vector<256x128xf32>, vector<512x128xf32> -> vector<512x128xf32>
    %sub3A = vector.broadcast %get3A_4 : vector<512x1xf32> to vector<512x128xf32>
    %sub3A_9 = arith.subf %sub3A, %dot_general3A_8 : vector<512x128xf32>
    %get3A_10 = arith.constant 0 : index
    %get3A_11 = arith.constant 0 : index
    %get3A_12 = vector.load %arg4[%get3A_10, %get3A_11] : memref<1x8192xf32, #tpu.memory_space<vmem>>, vector<1x128xf32>
    %add3A = vector.broadcast %get3A_12 : vector<1x128xf32> to vector<512x128xf32>
    %add3A_13 = arith.addf %sub3A_9, %add3A : vector<512x128xf32>
    %broadcast_in_dim3A = arith.constant 0 : i32
    %broadcast_in_dim3A_14 = vector.broadcast %broadcast_in_dim3A : i32 to vector<512x128xi32>
    %get3A_15 = arith.constant 0 : index
    %get3A_16 = arith.constant 128 : index
    %get3A_17 = vector.load %arg3[%get3A_15, %get3A_16] : memref<256x8192xf32, #tpu.memory_space<vmem>>, vector<256x128xf32>
    %dot_general3A_18 = arith.constant dense<0.000000e+00> : vector<512x128xf32>
    %dot_general3A_19 = tpu.matmul %get3A_1, %get3A_17, %dot_general3A_18 {dimension_numbers = #tpu.dot_dimension_numbers<[1], [0], [0], [1], [0, 0, 1, 1], [], []>, transpose_lhs_hint = false} : vector<512x256xf32>, vector<256x128xf32>, vector<512x128xf32> -> vector<512x128xf32>
    %sub3A_20 = vector.broadcast %get3A_4 : vector<512x1xf32> to vector<512x128xf32>
    %sub3A_21 = arith.subf %sub3A_20, %dot_general3A_19 : vector<512x128xf32>
    %get3A_22 = arith.constant 0 : index
    %get3A_23 = arith.constant 128 : index
    %get3A_24 = vector.load %arg4[%get3A_22, %get3A_23] : memref<1x8192xf32, #tpu.memory_space<vmem>>, vector<1x128xf32>
    %add3A_25 = vector.broadcast %get3A_24 : vector<1x128xf32> to vector<512x128xf32>
    %add3A_26 = arith.addf %sub3A_21, %add3A_25 : vector<512x128xf32>
    %lt3A = arith.cmpf olt, %add3A_26, %add3A_13 : vector<512x128xf32>
    %min3A = arith.minimumf %add3A_26, %add3A_13 : vector<512x128xf32>
    %jit3A = arith.constant 1 : i32
    %broadcast_in_dim3A_27 = vector.broadcast %jit3A : i32 to vector<512x128xi32>
    %select_n3A = arith.select %lt3A, %broadcast_in_dim3A_27, %broadcast_in_dim3A_14 : vector<512x128xi1>, vector<512x128xi32>
    %get3A_28 = arith.constant 0 : index
    %get3A_29 = arith.constant 256 : index
    %get3A_30 = vector.load %arg3[%get3A_28, %get3A_29] : memref<256x8192xf32, #tpu.memory_space<vmem>>, vector<256x128xf32>
    %dot_general3A_31 = arith.constant dense<0.000000e+00> : vector<512x128xf32>
    %dot_general3A_32 = tpu.matmul %get3A_1, %get3A_30, %dot_general3A_31 {dimension_numbers = #tpu.dot_dimension_numbers<[1], [0], [0], [1], [0, 0, 1, 1], [], []>, transpose_lhs_hint = false} : vector<512x256xf32>, vector<256x128xf32>, vector<512x128xf32> -> vector<512x128xf32>
    %sub3A_33 = vector.broadcast %get3A_4 : vector<512x1xf32> to vector<512x128xf32>
    %sub3A_34 = arith.subf %sub3A_33, %dot_general3A_32 : vector<512x128xf32>
    %get3A_35 = arith.constant 0 : index
    %get3A_36 = arith.constant 256 : index
    %get3A_37 = vector.load %arg4[%get3A_35, %get3A_36] : memref<1x8192xf32, #tpu.memory_space<vmem>>, vector<1x128xf32>
    %add3A_38 = vector.broadcast %get3A_37 : vector<1x128xf32> to vector<512x128xf32>
    %add3A_39 = arith.addf %sub3A_34, %add3A_38 : vector<512x128xf32>
    %lt3A_40 = arith.cmpf olt, %add3A_39, %min3A : vector<512x128xf32>
    %min3A_41 = arith.minimumf %add3A_39, %min3A : vector<512x128xf32>
    %jit3A_42 = arith.constant 2 : i32
    %broadcast_in_dim3A_43 = vector.broadcast %jit3A_42 : i32 to vector<512x128xi32>
    %select_n3A_44 = arith.select %lt3A_40, %broadcast_in_dim3A_43, %select_n3A : vector<512x128xi1>, vector<512x128xi32>
    %get3A_45 = arith.constant 0 : index
    %get3A_46 = arith.constant 384 : index
    %get3A_47 = vector.load %arg3[%get3A_45, %get3A_46] : memref<256x8192xf32, #tpu.memory_space<vmem>>, vector<256x128xf32>
    %dot_general3A_48 = arith.constant dense<0.000000e+00> : vector<512x128xf32>
    %dot_general3A_49 = tpu.matmul %get3A_1, %get3A_47, %dot_general3A_48 {dimension_numbers = #tpu.dot_dimension_numbers<[1], [0], [0], [1], [0, 0, 1, 1], [], []>, transpose_lhs_hint = false} : vector<512x256xf32>, vector<256x128xf32>, vector<512x128xf32> -> vector<512x128xf32>
    %sub3A_50 = vector.broadcast %get3A_4 : vector<512x1xf32> to vector<512x128xf32>
    %sub3A_51 = arith.subf %sub3A_50, %dot_general3A_49 : vector<512x128xf32>
    %get3A_52 = arith.constant 0 : index
    %get3A_53 = arith.constant 384 : index
    %get3A_54 = vector.load %arg4[%get3A_52, %get3A_53] : memref<1x8192xf32, #tpu.memory_space<vmem>>, vector<1x128xf32>
    %add3A_55 = vector.broadcast %get3A_54 : vector<1x128xf32> to vector<512x128xf32>
    %add3A_56 = arith.addf %sub3A_51, %add3A_55 : vector<512x128xf32>
    %lt3A_57 = arith.cmpf olt, %add3A_56, %min3A_41 : vector<512x128xf32>
    %min3A_58 = arith.minimumf %add3A_56, %min3A_41 : vector<512x128xf32>
    %jit3A_59 = arith.constant 3 : i32
    %broadcast_in_dim3A_60 = vector.broadcast %jit3A_59 : i32 to vector<512x128xi32>
    %select_n3A_61 = arith.select %lt3A_57, %broadcast_in_dim3A_60, %select_n3A_44 : vector<512x128xi1>, vector<512x128xi32>
    %get3A_62 = arith.constant 0 : index
    %get3A_63 = arith.constant 512 : index
    %get3A_64 = vector.load %arg3[%get3A_62, %get3A_63] : memref<256x8192xf32, #tpu.memory_space<vmem>>, vector<256x128xf32>
    %dot_general3A_65 = arith.constant dense<0.000000e+00> : vector<512x128xf32>
    %dot_general3A_66 = tpu.matmul %get3A_1, %get3A_64, %dot_general3A_65 {dimension_numbers = #tpu.dot_dimension_numbers<[1], [0], [0], [1], [0, 0, 1, 1], [], []>, transpose_lhs_hint = false} : vector<512x256xf32>, vector<256x128xf32>, vector<512x128xf32> -> vector<512x128xf32>
    %sub3A_67 = vector.broadcast %get3A_4 : vector<512x1xf32> to vector<512x128xf32>
    %sub3A_68 = arith.subf %sub3A_67, %dot_general3A_66 : vector<512x128xf32>
    %get3A_69 = arith.constant 0 : index
    %get3A_70 = arith.constant 512 : index
    %get3A_71 = vector.load %arg4[%get3A_69, %get3A_70] : memref<1x8192xf32, #tpu.memory_space<vmem>>, vector<1x128xf32>
    %add3A_72 = vector.broadcast %get3A_71 : vector<1x128xf32> to vector<512x128xf32>
    %add3A_73 = arith.addf %sub3A_68, %add3A_72 : vector<512x128xf32>
    %lt3A_74 = arith.cmpf olt, %add3A_73, %min3A_58 : vector<512x128xf32>
    %min3A_75 = arith.minimumf %add3A_73, %min3A_58 : vector<512x128xf32>
    %jit3A_76 = arith.constant 4 : i32
    %broadcast_in_dim3A_77 = vector.broadcast %jit3A_76 : i32 to vector<512x128xi32>
    %select_n3A_78 = arith.select %lt3A_74, %broadcast_in_dim3A_77, %select_n3A_61 : vector<512x128xi1>, vector<512x128xi32>
    %get3A_79 = arith.constant 0 : index
    %get3A_80 = arith.constant 640 : index
    %get3A_81 = vector.load %arg3[%get3A_79, %get3A_80] : memref<256x8192xf32, #tpu.memory_space<vmem>>, vector<256x128xf32>
    %dot_general3A_82 = arith.constant dense<0.000000e+00> : vector<512x128xf32>
    %dot_general3A_83 = tpu.matmul %get3A_1, %get3A_81, %dot_general3A_82 {dimension_numbers = #tpu.dot_dimension_numbers<[1], [0], [0], [1], [0, 0, 1, 1], [], []>, transpose_lhs_hint = false} : vector<512x256xf32>, vector<256x128xf32>, vector<512x128xf32> -> vector<512x128xf32>
    %sub3A_84 = vector.broadcast %get3A_4 : vector<512x1xf32> to vector<512x128xf32>
    %sub3A_85 = arith.subf %sub3A_84, %dot_general3A_83 : vector<512x128xf32>
    %get3A_86 = arith.constant 0 : index
    %get3A_87 = arith.constant 640 : index
    %get3A_88 = vector.load %arg4[%get3A_86, %get3A_87] : memref<1x8192xf32, #tpu.memory_space<vmem>>, vector<1x128xf32>
    %add3A_89 = vector.broadcast %get3A_88 : vector<1x128xf32> to vector<512x128xf32>
    %add3A_90 = arith.addf %sub3A_85, %add3A_89 : vector<512x128xf32>
    %lt3A_91 = arith.cmpf olt, %add3A_90, %min3A_75 : vector<512x128xf32>
    %min3A_92 = arith.minimumf %add3A_90, %min3A_75 : vector<512x128xf32>
    %jit3A_93 = arith.constant 5 : i32
    %broadcast_in_dim3A_94 = vector.broadcast %jit3A_93 : i32 to vector<512x128xi32>
    %select_n3A_95 = arith.select %lt3A_91, %broadcast_in_dim3A_94, %select_n3A_78 : vector<512x128xi1>, vector<512x128xi32>
    %get3A_96 = arith.constant 0 : index
    %get3A_97 = arith.constant 768 : index
    %get3A_98 = vector.load %arg3[%get3A_96, %get3A_97] : memref<256x8192xf32, #tpu.memory_space<vmem>>, vector<256x128xf32>
    %dot_general3A_99 = arith.constant dense<0.000000e+00> : vector<512x128xf32>
    %dot_general3A_100 = tpu.matmul %get3A_1, %get3A_98, %dot_general3A_99 {dimension_numbers = #tpu.dot_dimension_numbers<[1], [0], [0], [1], [0, 0, 1, 1], [], []>, transpose_lhs_hint = false} : vector<512x256xf32>, vector<256x128xf32>, vector<512x128xf32> -> vector<512x128xf32>
    %sub3A_101 = vector.broadcast %get3A_4 : vector<512x1xf32> to vector<512x128xf32>
    %sub3A_102 = arith.subf %sub3A_101, %dot_general3A_100 : vector<512x128xf32>
    %get3A_103 = arith.constant 0 : index
    %get3A_104 = arith.constant 768 : index
    %get3A_105 = vector.load %arg4[%get3A_103, %get3A_104] : memref<1x8192xf32, #tpu.memory_space<vmem>>, vector<1x128xf32>
    %add3A_106 = vector.broadcast %get3A_105 : vector<1x128xf32> to vector<512x128xf32>
    %add3A_107 = arith.addf %sub3A_102, %add3A_106 : vector<512x128xf32>
    %lt3A_108 = arith.cmpf olt, %add3A_107, %min3A_92 : vector<512x128xf32>
    %min3A_109 = arith.minimumf %add3A_107, %min3A_92 : vector<512x128xf32>
    %jit3A_110 = arith.constant 6 : i32
    %broadcast_in_dim3A_111 = vector.broadcast %jit3A_110 : i32 to vector<512x128xi32>
    %select_n3A_112 = arith.select %lt3A_108, %broadcast_in_dim3A_111, %select_n3A_95 : vector<512x128xi1>, vector<512x128xi32>
    %get3A_113 = arith.constant 0 : index
    %get3A_114 = arith.constant 896 : index
    %get3A_115 = vector.load %arg3[%get3A_113, %get3A_114] : memref<256x8192xf32, #tpu.memory_space<vmem>>, vector<256x128xf32>
    %dot_general3A_116 = arith.constant dense<0.000000e+00> : vector<512x128xf32>
    %dot_general3A_117 = tpu.matmul %get3A_1, %get3A_115, %dot_general3A_116 {dimension_numbers = #tpu.dot_dimension_numbers<[1], [0], [0], [1], [0, 0, 1, 1], [], []>, transpose_lhs_hint = false} : vector<512x256xf32>, vector<256x128xf32>, vector<512x128xf32> -> vector<512x128xf32>
    %sub3A_118 = vector.broadcast %get3A_4 : vector<512x1xf32> to vector<512x128xf32>
    %sub3A_119 = arith.subf %sub3A_118, %dot_general3A_117 : vector<512x128xf32>
    %get3A_120 = arith.constant 0 : index
    %get3A_121 = arith.constant 896 : index
    %get3A_122 = vector.load %arg4[%get3A_120, %get3A_121] : memref<1x8192xf32, #tpu.memory_space<vmem>>, vector<1x128xf32>
    %add3A_123 = vector.broadcast %get3A_122 : vector<1x128xf32> to vector<512x128xf32>
    %add3A_124 = arith.addf %sub3A_119, %add3A_123 : vector<512x128xf32>
    %lt3A_125 = arith.cmpf olt, %add3A_124, %min3A_109 : vector<512x128xf32>
    %min3A_126 = arith.minimumf %add3A_124, %min3A_109 : vector<512x128xf32>
    %jit3A_127 = arith.constant 7 : i32
    %broadcast_in_dim3A_128 = vector.broadcast %jit3A_127 : i32 to vector<512x128xi32>
    %select_n3A_129 = arith.select %lt3A_125, %broadcast_in_dim3A_128, %select_n3A_112 : vector<512x128xi1>, vector<512x128xi32>
    %get3A_130 = arith.constant 0 : index
    %get3A_131 = arith.constant 1024 : index
    %get3A_132 = vector.load %arg3[%get3A_130, %get3A_131] : memref<256x8192xf32, #tpu.memory_space<vmem>>, vector<256x128xf32>
    %dot_general3A_133 = arith.constant dense<0.000000e+00> : vector<512x128xf32>
    %dot_general3A_134 = tpu.matmul %get3A_1, %get3A_132, %dot_general3A_133 {dimension_numbers = #tpu.dot_dimension_numbers<[1], [0], [0], [1], [0, 0, 1, 1], [], []>, transpose_lhs_hint = false} : vector<512x256xf32>, vector<256x128xf32>, vector<512x128xf32> -> vector<512x128xf32>
    %sub3A_135 = vector.broadcast %get3A_4 : vector<512x1xf32> to vector<512x128xf32>
    %sub3A_136 = arith.subf %sub3A_135, %dot_general3A_134 : vector<512x128xf32>
    %get3A_137 = arith.constant 0 : index
    %get3A_138 = arith.constant 1024 : index
    %get3A_139 = vector.load %arg4[%get3A_137, %get3A_138] : memref<1x8192xf32, #tpu.memory_space<vmem>>, vector<1x128xf32>
    %add3A_140 = vector.broadcast %get3A_139 : vector<1x128xf32> to vector<512x128xf32>
    %add3A_141 = arith.addf %sub3A_136, %add3A_140 : vector<512x128xf32>
    %lt3A_142 = arith.cmpf olt, %add3A_141, %min3A_126 : vector<512x128xf32>
    %min3A_143 = arith.minimumf %add3A_141, %min3A_126 : vector<512x128xf32>
    %jit3A_144 = arith.constant 8 : i32
    %broadcast_in_dim3A_145 = vector.broadcast %jit3A_144 : i32 to vector<512x128xi32>
    %select_n3A_146 = arith.select %lt3A_142, %broadcast_in_dim3A_145, %select_n3A_129 : vector<512x128xi1>, vector<512x128xi32>
    %get3A_147 = arith.constant 0 : index
    %get3A_148 = arith.constant 1152 : index
    %get3A_149 = vector.load %arg3[%get3A_147, %get3A_148] : memref<256x8192xf32, #tpu.memory_space<vmem>>, vector<256x128xf32>
    %dot_general3A_150 = arith.constant dense<0.000000e+00> : vector<512x128xf32>
    %dot_general3A_151 = tpu.matmul %get3A_1, %get3A_149, %dot_general3A_150 {dimension_numbers = #tpu.dot_dimension_numbers<[1], [0], [0], [1], [0, 0, 1, 1], [], []>, transpose_lhs_hint = false} : vector<512x256xf32>, vector<256x128xf32>, vector<512x128xf32> -> vector<512x128xf32>
    %sub3A_152 = vector.broadcast %get3A_4 : vector<512x1xf32> to vector<512x128xf32>
    %sub3A_153 = arith.subf %sub3A_152, %dot_general3A_151 : vector<512x128xf32>
    %get3A_154 = arith.constant 0 : index
    %get3A_155 = arith.constant 1152 : index
    %get3A_156 = vector.load %arg4[%get3A_154, %get3A_155] : memref<1x8192xf32, #tpu.memory_space<vmem>>, vector<1x128xf32>
    %add3A_157 = vector.broadcast %get3A_156 : vector<1x128xf32> to vector<512x128xf32>
    %add3A_158 = arith.addf %sub3A_153, %add3A_157 : vector<512x128xf32>
    %lt3A_159 = arith.cmpf olt, %add3A_158, %min3A_143 : vector<512x128xf32>
    %min3A_160 = arith.minimumf %add3A_158, %min3A_143 : vector<512x128xf32>
    %jit3A_161 = arith.constant 9 : i32
    %broadcast_in_dim3A_162 = vector.broadcast %jit3A_161 : i32 to vector<512x128xi32>
    %select_n3A_163 = arith.select %lt3A_159, %broadcast_in_dim3A_162, %select_n3A_146 : vector<512x128xi1>, vector<512x128xi32>
    %get3A_164 = arith.constant 0 : index
    %get3A_165 = arith.constant 1280 : index
    %get3A_166 = vector.load %arg3[%get3A_164, %get3A_165] : memref<256x8192xf32, #tpu.memory_space<vmem>>, vector<256x128xf32>
    %dot_general3A_167 = arith.constant dense<0.000000e+00> : vector<512x128xf32>
    %dot_general3A_168 = tpu.matmul %get3A_1, %get3A_166, %dot_general3A_167 {dimension_numbers = #tpu.dot_dimension_numbers<[1], [0], [0], [1], [0, 0, 1, 1], [], []>, transpose_lhs_hint = false} : vector<512x256xf32>, vector<256x128xf32>, vector<512x128xf32> -> vector<512x128xf32>
    %sub3A_169 = vector.broadcast %get3A_4 : vector<512x1xf32> to vector<512x128xf32>
    %sub3A_170 = arith.subf %sub3A_169, %dot_general3A_168 : vector<512x128xf32>
    %get3A_171 = arith.constant 0 : index
    %get3A_172 = arith.constant 1280 : index
    %get3A_173 = vector.load %arg4[%get3A_171, %get3A_172] : memref<1x8192xf32, #tpu.memory_space<vmem>>, vector<1x128xf32>
    %add3A_174 = vector.broadcast %get3A_173 : vector<1x128xf32> to vector<512x128xf32>
    %add3A_175 = arith.addf %sub3A_170, %add3A_174 : vector<512x128xf32>
    %lt3A_176 = arith.cmpf olt, %add3A_175, %min3A_160 : vector<512x128xf32>
    %min3A_177 = arith.minimumf %add3A_175, %min3A_160 : vector<512x128xf32>
    %jit3A_178 = arith.constant 10 : i32
    %broadcast_in_dim3A_179 = vector.broadcast %jit3A_178 : i32 to vector<512x128xi32>
    %select_n3A_180 = arith.select %lt3A_176, %broadcast_in_dim3A_179, %select_n3A_163 : vector<512x128xi1>, vector<512x128xi32>
    %get3A_181 = arith.constant 0 : index
    %get3A_182 = arith.constant 1408 : index
    %get3A_183 = vector.load %arg3[%get3A_181, %get3A_182] : memref<256x8192xf32, #tpu.memory_space<vmem>>, vector<256x128xf32>
    %dot_general3A_184 = arith.constant dense<0.000000e+00> : vector<512x128xf32>
    %dot_general3A_185 = tpu.matmul %get3A_1, %get3A_183, %dot_general3A_184 {dimension_numbers = #tpu.dot_dimension_numbers<[1], [0], [0], [1], [0, 0, 1, 1], [], []>, transpose_lhs_hint = false} : vector<512x256xf32>, vector<256x128xf32>, vector<512x128xf32> -> vector<512x128xf32>
    %sub3A_186 = vector.broadcast %get3A_4 : vector<512x1xf32> to vector<512x128xf32>
    %sub3A_187 = arith.subf %sub3A_186, %dot_general3A_185 : vector<512x128xf32>
    %get3A_188 = arith.constant 0 : index
    %get3A_189 = arith.constant 1408 : index
    %get3A_190 = vector.load %arg4[%get3A_188, %get3A_189] : memref<1x8192xf32, #tpu.memory_space<vmem>>, vector<1x128xf32>
    %add3A_191 = vector.broadcast %get3A_190 : vector<1x128xf32> to vector<512x128xf32>
    %add3A_192 = arith.addf %sub3A_187, %add3A_191 : vector<512x128xf32>
    %lt3A_193 = arith.cmpf olt, %add3A_192, %min3A_177 : vector<512x128xf32>
    %min3A_194 = arith.minimumf %add3A_192, %min3A_177 : vector<512x128xf32>
    %jit3A_195 = arith.constant 11 : i32
    %broadcast_in_dim3A_196 = vector.broadcast %jit3A_195 : i32 to vector<512x128xi32>
    %select_n3A_197 = arith.select %lt3A_193, %broadcast_in_dim3A_196, %select_n3A_180 : vector<512x128xi1>, vector<512x128xi32>
    %get3A_198 = arith.constant 0 : index
    %get3A_199 = arith.constant 1536 : index
    %get3A_200 = vector.load %arg3[%get3A_198, %get3A_199] : memref<256x8192xf32, #tpu.memory_space<vmem>>, vector<256x128xf32>
    %dot_general3A_201 = arith.constant dense<0.000000e+00> : vector<512x128xf32>
    %dot_general3A_202 = tpu.matmul %get3A_1, %get3A_200, %dot_general3A_201 {dimension_numbers = #tpu.dot_dimension_numbers<[1], [0], [0], [1], [0, 0, 1, 1], [], []>, transpose_lhs_hint = false} : vector<512x256xf32>, vector<256x128xf32>, vector<512x128xf32> -> vector<512x128xf32>
    %sub3A_203 = vector.broadcast %get3A_4 : vector<512x1xf32> to vector<512x128xf32>
    %sub3A_204 = arith.subf %sub3A_203, %dot_general3A_202 : vector<512x128xf32>
    %get3A_205 = arith.constant 0 : index
    %get3A_206 = arith.constant 1536 : index
    %get3A_207 = vector.load %arg4[%get3A_205, %get3A_206] : memref<1x8192xf32, #tpu.memory_space<vmem>>, vector<1x128xf32>
    %add3A_208 = vector.broadcast %get3A_207 : vector<1x128xf32> to vector<512x128xf32>
    %add3A_209 = arith.addf %sub3A_204, %add3A_208 : vector<512x128xf32>
    %lt3A_210 = arith.cmpf olt, %add3A_209, %min3A_194 : vector<512x128xf32>
    %min3A_211 = arith.minimumf %add3A_209, %min3A_194 : vector<512x128xf32>
    %jit3A_212 = arith.constant 12 : i32
    %broadcast_in_dim3A_213 = vector.broadcast %jit3A_212 : i32 to vector<512x128xi32>
    %select_n3A_214 = arith.select %lt3A_210, %broadcast_in_dim3A_213, %select_n3A_197 : vector<512x128xi1>, vector<512x128xi32>
    %get3A_215 = arith.constant 0 : index
    %get3A_216 = arith.constant 1664 : index
    %get3A_217 = vector.load %arg3[%get3A_215, %get3A_216] : memref<256x8192xf32, #tpu.memory_space<vmem>>, vector<256x128xf32>
    %dot_general3A_218 = arith.constant dense<0.000000e+00> : vector<512x128xf32>
    %dot_general3A_219 = tpu.matmul %get3A_1, %get3A_217, %dot_general3A_218 {dimension_numbers = #tpu.dot_dimension_numbers<[1], [0], [0], [1], [0, 0, 1, 1], [], []>, transpose_lhs_hint = false} : vector<512x256xf32>, vector<256x128xf32>, vector<512x128xf32> -> vector<512x128xf32>
    %sub3A_220 = vector.broadcast %get3A_4 : vector<512x1xf32> to vector<512x128xf32>
    %sub3A_221 = arith.subf %sub3A_220, %dot_general3A_219 : vector<512x128xf32>
    %get3A_222 = arith.constant 0 : index
    %get3A_223 = arith.constant 1664 : index
    %get3A_224 = vector.load %arg4[%get3A_222, %get3A_223] : memref<1x8192xf32, #tpu.memory_space<vmem>>, vector<1x128xf32>
    %add3A_225 = vector.broadcast %get3A_224 : vector<1x128xf32> to vector<512x128xf32>
    %add3A_226 = arith.addf %sub3A_221, %add3A_225 : vector<512x128xf32>
    %lt3A_227 = arith.cmpf olt, %add3A_226, %min3A_211 : vector<512x128xf32>
    %min3A_228 = arith.minimumf %add3A_226, %min3A_211 : vector<512x128xf32>
    %jit3A_229 = arith.constant 13 : i32
    %broadcast_in_dim3A_230 = vector.broadcast %jit3A_229 : i32 to vector<512x128xi32>
    %select_n3A_231 = arith.select %lt3A_227, %broadcast_in_dim3A_230, %select_n3A_214 : vector<512x128xi1>, vector<512x128xi32>
    %get3A_232 = arith.constant 0 : index
    %get3A_233 = arith.constant 1792 : index
    %get3A_234 = vector.load %arg3[%get3A_232, %get3A_233] : memref<256x8192xf32, #tpu.memory_space<vmem>>, vector<256x128xf32>
    %dot_general3A_235 = arith.constant dense<0.000000e+00> : vector<512x128xf32>
    %dot_general3A_236 = tpu.matmul %get3A_1, %get3A_234, %dot_general3A_235 {dimension_numbers = #tpu.dot_dimension_numbers<[1], [0], [0], [1], [0, 0, 1, 1], [], []>, transpose_lhs_hint = false} : vector<512x256xf32>, vector<256x128xf32>, vector<512x128xf32> -> vector<512x128xf32>
    %sub3A_237 = vector.broadcast %get3A_4 : vector<512x1xf32> to vector<512x128xf32>
    %sub3A_238 = arith.subf %sub3A_237, %dot_general3A_236 : vector<512x128xf32>
    %get3A_239 = arith.constant 0 : index
    %get3A_240 = arith.constant 1792 : index
    %get3A_241 = vector.load %arg4[%get3A_239, %get3A_240] : memref<1x8192xf32, #tpu.memory_space<vmem>>, vector<1x128xf32>
    %add3A_242 = vector.broadcast %get3A_241 : vector<1x128xf32> to vector<512x128xf32>
    %add3A_243 = arith.addf %sub3A_238, %add3A_242 : vector<512x128xf32>
    %lt3A_244 = arith.cmpf olt, %add3A_243, %min3A_228 : vector<512x128xf32>
    %min3A_245 = arith.minimumf %add3A_243, %min3A_228 : vector<512x128xf32>
    %jit3A_246 = arith.constant 14 : i32
    %broadcast_in_dim3A_247 = vector.broadcast %jit3A_246 : i32 to vector<512x128xi32>
    %select_n3A_248 = arith.select %lt3A_244, %broadcast_in_dim3A_247, %select_n3A_231 : vector<512x128xi1>, vector<512x128xi32>
    %get3A_249 = arith.constant 0 : index
    %get3A_250 = arith.constant 1920 : index
    %get3A_251 = vector.load %arg3[%get3A_249, %get3A_250] : memref<256x8192xf32, #tpu.memory_space<vmem>>, vector<256x128xf32>
    %dot_general3A_252 = arith.constant dense<0.000000e+00> : vector<512x128xf32>
    %dot_general3A_253 = tpu.matmul %get3A_1, %get3A_251, %dot_general3A_252 {dimension_numbers = #tpu.dot_dimension_numbers<[1], [0], [0], [1], [0, 0, 1, 1], [], []>, transpose_lhs_hint = false} : vector<512x256xf32>, vector<256x128xf32>, vector<512x128xf32> -> vector<512x128xf32>
    %sub3A_254 = vector.broadcast %get3A_4 : vector<512x1xf32> to vector<512x128xf32>
    %sub3A_255 = arith.subf %sub3A_254, %dot_general3A_253 : vector<512x128xf32>
    %get3A_256 = arith.constant 0 : index
    %get3A_257 = arith.constant 1920 : index
    %get3A_258 = vector.load %arg4[%get3A_256, %get3A_257] : memref<1x8192xf32, #tpu.memory_space<vmem>>, vector<1x128xf32>
    %add3A_259 = vector.broadcast %get3A_258 : vector<1x128xf32> to vector<512x128xf32>
    %add3A_260 = arith.addf %sub3A_255, %add3A_259 : vector<512x128xf32>
    %lt3A_261 = arith.cmpf olt, %add3A_260, %min3A_245 : vector<512x128xf32>
    %min3A_262 = arith.minimumf %add3A_260, %min3A_245 : vector<512x128xf32>
    %jit3A_263 = arith.constant 15 : i32
    %broadcast_in_dim3A_264 = vector.broadcast %jit3A_263 : i32 to vector<512x128xi32>
    %select_n3A_265 = arith.select %lt3A_261, %broadcast_in_dim3A_264, %select_n3A_248 : vector<512x128xi1>, vector<512x128xi32>
    %get3A_266 = arith.constant 0 : index
    %get3A_267 = arith.constant 2048 : index
    %get3A_268 = vector.load %arg3[%get3A_266, %get3A_267] : memref<256x8192xf32, #tpu.memory_space<vmem>>, vector<256x128xf32>
    %dot_general3A_269 = arith.constant dense<0.000000e+00> : vector<512x128xf32>
    %dot_general3A_270 = tpu.matmul %get3A_1, %get3A_268, %dot_general3A_269 {dimension_numbers = #tpu.dot_dimension_numbers<[1], [0], [0], [1], [0, 0, 1, 1], [], []>, transpose_lhs_hint = false} : vector<512x256xf32>, vector<256x128xf32>, vector<512x128xf32> -> vector<512x128xf32>
    %sub3A_271 = vector.broadcast %get3A_4 : vector<512x1xf32> to vector<512x128xf32>
    %sub3A_272 = arith.subf %sub3A_271, %dot_general3A_270 : vector<512x128xf32>
    %get3A_273 = arith.constant 0 : index
    %get3A_274 = arith.constant 2048 : index
    %get3A_275 = vector.load %arg4[%get3A_273, %get3A_274] : memref<1x8192xf32, #tpu.memory_space<vmem>>, vector<1x128xf32>
    %add3A_276 = vector.broadcast %get3A_275 : vector<1x128xf32> to vector<512x128xf32>
    %add3A_277 = arith.addf %sub3A_272, %add3A_276 : vector<512x128xf32>
    %lt3A_278 = arith.cmpf olt, %add3A_277, %min3A_262 : vector<512x128xf32>
    %min3A_279 = arith.minimumf %add3A_277, %min3A_262 : vector<512x128xf32>
    %jit3A_280 = arith.constant 16 : i32
    %broadcast_in_dim3A_281 = vector.broadcast %jit3A_280 : i32 to vector<512x128xi32>
    %select_n3A_282 = arith.select %lt3A_278, %broadcast_in_dim3A_281, %select_n3A_265 : vector<512x128xi1>, vector<512x128xi32>
    %get3A_283 = arith.constant 0 : index
    %get3A_284 = arith.constant 2176 : index
    %get3A_285 = vector.load %arg3[%get3A_283, %get3A_284] : memref<256x8192xf32, #tpu.memory_space<vmem>>, vector<256x128xf32>
    %dot_general3A_286 = arith.constant dense<0.000000e+00> : vector<512x128xf32>
    %dot_general3A_287 = tpu.matmul %get3A_1, %get3A_285, %dot_general3A_286 {dimension_numbers = #tpu.dot_dimension_numbers<[1], [0], [0], [1], [0, 0, 1, 1], [], []>, transpose_lhs_hint = false} : vector<512x256xf32>, vector<256x128xf32>, vector<512x128xf32> -> vector<512x128xf32>
    %sub3A_288 = vector.broadcast %get3A_4 : vector<512x1xf32> to vector<512x128xf32>
    %sub3A_289 = arith.subf %sub3A_288, %dot_general3A_287 : vector<512x128xf32>
    %get3A_290 = arith.constant 0 : index
    %get3A_291 = arith.constant 2176 : index
    %get3A_292 = vector.load %arg4[%get3A_290, %get3A_291] : memref<1x8192xf32, #tpu.memory_space<vmem>>, vector<1x128xf32>
    %add3A_293 = vector.broadcast %get3A_292 : vector<1x128xf32> to vector<512x128xf32>
    %add3A_294 = arith.addf %sub3A_289, %add3A_293 : vector<512x128xf32>
    %lt3A_295 = arith.cmpf olt, %add3A_294, %min3A_279 : vector<512x128xf32>
    %min3A_296 = arith.minimumf %add3A_294, %min3A_279 : vector<512x128xf32>
    %jit3A_297 = arith.constant 17 : i32
    %broadcast_in_dim3A_298 = vector.broadcast %jit3A_297 : i32 to vector<512x128xi32>
    %select_n3A_299 = arith.select %lt3A_295, %broadcast_in_dim3A_298, %select_n3A_282 : vector<512x128xi1>, vector<512x128xi32>
    %get3A_300 = arith.constant 0 : index
    %get3A_301 = arith.constant 2304 : index
    %get3A_302 = vector.load %arg3[%get3A_300, %get3A_301] : memref<256x8192xf32, #tpu.memory_space<vmem>>, vector<256x128xf32>
    %dot_general3A_303 = arith.constant dense<0.000000e+00> : vector<512x128xf32>
    %dot_general3A_304 = tpu.matmul %get3A_1, %get3A_302, %dot_general3A_303 {dimension_numbers = #tpu.dot_dimension_numbers<[1], [0], [0], [1], [0, 0, 1, 1], [], []>, transpose_lhs_hint = false} : vector<512x256xf32>, vector<256x128xf32>, vector<512x128xf32> -> vector<512x128xf32>
    %sub3A_305 = vector.broadcast %get3A_4 : vector<512x1xf32> to vector<512x128xf32>
    %sub3A_306 = arith.subf %sub3A_305, %dot_general3A_304 : vector<512x128xf32>
    %get3A_307 = arith.constant 0 : index
    %get3A_308 = arith.constant 2304 : index
    %get3A_309 = vector.load %arg4[%get3A_307, %get3A_308] : memref<1x8192xf32, #tpu.memory_space<vmem>>, vector<1x128xf32>
    %add3A_310 = vector.broadcast %get3A_309 : vector<1x128xf32> to vector<512x128xf32>
    %add3A_311 = arith.addf %sub3A_306, %add3A_310 : vector<512x128xf32>
    %lt3A_312 = arith.cmpf olt, %add3A_311, %min3A_296 : vector<512x128xf32>
    %min3A_313 = arith.minimumf %add3A_311, %min3A_296 : vector<512x128xf32>
    %jit3A_314 = arith.constant 18 : i32
    %broadcast_in_dim3A_315 = vector.broadcast %jit3A_314 : i32 to vector<512x128xi32>
    %select_n3A_316 = arith.select %lt3A_312, %broadcast_in_dim3A_315, %select_n3A_299 : vector<512x128xi1>, vector<512x128xi32>
    %get3A_317 = arith.constant 0 : index
    %get3A_318 = arith.constant 2432 : index
    %get3A_319 = vector.load %arg3[%get3A_317, %get3A_318] : memref<256x8192xf32, #tpu.memory_space<vmem>>, vector<256x128xf32>
    %dot_general3A_320 = arith.constant dense<0.000000e+00> : vector<512x128xf32>
    %dot_general3A_321 = tpu.matmul %get3A_1, %get3A_319, %dot_general3A_320 {dimension_numbers = #tpu.dot_dimension_numbers<[1], [0], [0], [1], [0, 0, 1, 1], [], []>, transpose_lhs_hint = false} : vector<512x256xf32>, vector<256x128xf32>, vector<512x128xf32> -> vector<512x128xf32>
    %sub3A_322 = vector.broadcast %get3A_4 : vector<512x1xf32> to vector<512x128xf32>
    %sub3A_323 = arith.subf %sub3A_322, %dot_general3A_321 : vector<512x128xf32>
    %get3A_324 = arith.constant 0 : index
    %get3A_325 = arith.constant 2432 : index
    %get3A_326 = vector.load %arg4[%get3A_324, %get3A_325] : memref<1x8192xf32, #tpu.memory_space<vmem>>, vector<1x128xf32>
    %add3A_327 = vector.broadcast %get3A_326 : vector<1x128xf32> to vector<512x128xf32>
    %add3A_328 = arith.addf %sub3A_323, %add3A_327 : vector<512x128xf32>
    %lt3A_329 = arith.cmpf olt, %add3A_328, %min3A_313 : vector<512x128xf32>
    %min3A_330 = arith.minimumf %add3A_328, %min3A_313 : vector<512x128xf32>
    %jit3A_331 = arith.constant 19 : i32
    %broadcast_in_dim3A_332 = vector.broadcast %jit3A_331 : i32 to vector<512x128xi32>
    %select_n3A_333 = arith.select %lt3A_329, %broadcast_in_dim3A_332, %select_n3A_316 : vector<512x128xi1>, vector<512x128xi32>
    %get3A_334 = arith.constant 0 : index
    %get3A_335 = arith.constant 2560 : index
    %get3A_336 = vector.load %arg3[%get3A_334, %get3A_335] : memref<256x8192xf32, #tpu.memory_space<vmem>>, vector<256x128xf32>
    %dot_general3A_337 = arith.constant dense<0.000000e+00> : vector<512x128xf32>
    %dot_general3A_338 = tpu.matmul %get3A_1, %get3A_336, %dot_general3A_337 {dimension_numbers = #tpu.dot_dimension_numbers<[1], [0], [0], [1], [0, 0, 1, 1], [], []>, transpose_lhs_hint = false} : vector<512x256xf32>, vector<256x128xf32>, vector<512x128xf32> -> vector<512x128xf32>
    %sub3A_339 = vector.broadcast %get3A_4 : vector<512x1xf32> to vector<512x128xf32>
    %sub3A_340 = arith.subf %sub3A_339, %dot_general3A_338 : vector<512x128xf32>
    %get3A_341 = arith.constant 0 : index
    %get3A_342 = arith.constant 2560 : index
    %get3A_343 = vector.load %arg4[%get3A_341, %get3A_342] : memref<1x8192xf32, #tpu.memory_space<vmem>>, vector<1x128xf32>
    %add3A_344 = vector.broadcast %get3A_343 : vector<1x128xf32> to vector<512x128xf32>
    %add3A_345 = arith.addf %sub3A_340, %add3A_344 : vector<512x128xf32>
    %lt3A_346 = arith.cmpf olt, %add3A_345, %min3A_330 : vector<512x128xf32>
    %min3A_347 = arith.minimumf %add3A_345, %min3A_330 : vector<512x128xf32>
    %jit3A_348 = arith.constant 20 : i32
    %broadcast_in_dim3A_349 = vector.broadcast %jit3A_348 : i32 to vector<512x128xi32>
    %select_n3A_350 = arith.select %lt3A_346, %broadcast_in_dim3A_349, %select_n3A_333 : vector<512x128xi1>, vector<512x128xi32>
    %get3A_351 = arith.constant 0 : index
    %get3A_352 = arith.constant 2688 : index
    %get3A_353 = vector.load %arg3[%get3A_351, %get3A_352] : memref<256x8192xf32, #tpu.memory_space<vmem>>, vector<256x128xf32>
    %dot_general3A_354 = arith.constant dense<0.000000e+00> : vector<512x128xf32>
    %dot_general3A_355 = tpu.matmul %get3A_1, %get3A_353, %dot_general3A_354 {dimension_numbers = #tpu.dot_dimension_numbers<[1], [0], [0], [1], [0, 0, 1, 1], [], []>, transpose_lhs_hint = false} : vector<512x256xf32>, vector<256x128xf32>, vector<512x128xf32> -> vector<512x128xf32>
    %sub3A_356 = vector.broadcast %get3A_4 : vector<512x1xf32> to vector<512x128xf32>
    %sub3A_357 = arith.subf %sub3A_356, %dot_general3A_355 : vector<512x128xf32>
    %get3A_358 = arith.constant 0 : index
    %get3A_359 = arith.constant 2688 : index
    %get3A_360 = vector.load %arg4[%get3A_358, %get3A_359] : memref<1x8192xf32, #tpu.memory_space<vmem>>, vector<1x128xf32>
    %add3A_361 = vector.broadcast %get3A_360 : vector<1x128xf32> to vector<512x128xf32>
    %add3A_362 = arith.addf %sub3A_357, %add3A_361 : vector<512x128xf32>
    %lt3A_363 = arith.cmpf olt, %add3A_362, %min3A_347 : vector<512x128xf32>
    %min3A_364 = arith.minimumf %add3A_362, %min3A_347 : vector<512x128xf32>
    %jit3A_365 = arith.constant 21 : i32
    %broadcast_in_dim3A_366 = vector.broadcast %jit3A_365 : i32 to vector<512x128xi32>
    %select_n3A_367 = arith.select %lt3A_363, %broadcast_in_dim3A_366, %select_n3A_350 : vector<512x128xi1>, vector<512x128xi32>
    %get3A_368 = arith.constant 0 : index
    %get3A_369 = arith.constant 2816 : index
    %get3A_370 = vector.load %arg3[%get3A_368, %get3A_369] : memref<256x8192xf32, #tpu.memory_space<vmem>>, vector<256x128xf32>
    %dot_general3A_371 = arith.constant dense<0.000000e+00> : vector<512x128xf32>
    %dot_general3A_372 = tpu.matmul %get3A_1, %get3A_370, %dot_general3A_371 {dimension_numbers = #tpu.dot_dimension_numbers<[1], [0], [0], [1], [0, 0, 1, 1], [], []>, transpose_lhs_hint = false} : vector<512x256xf32>, vector<256x128xf32>, vector<512x128xf32> -> vector<512x128xf32>
    %sub3A_373 = vector.broadcast %get3A_4 : vector<512x1xf32> to vector<512x128xf32>
    %sub3A_374 = arith.subf %sub3A_373, %dot_general3A_372 : vector<512x128xf32>
    %get3A_375 = arith.constant 0 : index
    %get3A_376 = arith.constant 2816 : index
    %get3A_377 = vector.load %arg4[%get3A_375, %get3A_376] : memref<1x8192xf32, #tpu.memory_space<vmem>>, vector<1x128xf32>
    %add3A_378 = vector.broadcast %get3A_377 : vector<1x128xf32> to vector<512x128xf32>
    %add3A_379 = arith.addf %sub3A_374, %add3A_378 : vector<512x128xf32>
    %lt3A_380 = arith.cmpf olt, %add3A_379, %min3A_364 : vector<512x128xf32>
    %min3A_381 = arith.minimumf %add3A_379, %min3A_364 : vector<512x128xf32>
    %jit3A_382 = arith.constant 22 : i32
    %broadcast_in_dim3A_383 = vector.broadcast %jit3A_382 : i32 to vector<512x128xi32>
    %select_n3A_384 = arith.select %lt3A_380, %broadcast_in_dim3A_383, %select_n3A_367 : vector<512x128xi1>, vector<512x128xi32>
    %get3A_385 = arith.constant 0 : index
    %get3A_386 = arith.constant 2944 : index
    %get3A_387 = vector.load %arg3[%get3A_385, %get3A_386] : memref<256x8192xf32, #tpu.memory_space<vmem>>, vector<256x128xf32>
    %dot_general3A_388 = arith.constant dense<0.000000e+00> : vector<512x128xf32>
    %dot_general3A_389 = tpu.matmul %get3A_1, %get3A_387, %dot_general3A_388 {dimension_numbers = #tpu.dot_dimension_numbers<[1], [0], [0], [1], [0, 0, 1, 1], [], []>, transpose_lhs_hint = false} : vector<512x256xf32>, vector<256x128xf32>, vector<512x128xf32> -> vector<512x128xf32>
    %sub3A_390 = vector.broadcast %get3A_4 : vector<512x1xf32> to vector<512x128xf32>
    %sub3A_391 = arith.subf %sub3A_390, %dot_general3A_389 : vector<512x128xf32>
    %get3A_392 = arith.constant 0 : index
    %get3A_393 = arith.constant 2944 : index
    %get3A_394 = vector.load %arg4[%get3A_392, %get3A_393] : memref<1x8192xf32, #tpu.memory_space<vmem>>, vector<1x128xf32>
    %add3A_395 = vector.broadcast %get3A_394 : vector<1x128xf32> to vector<512x128xf32>
    %add3A_396 = arith.addf %sub3A_391, %add3A_395 : vector<512x128xf32>
    %lt3A_397 = arith.cmpf olt, %add3A_396, %min3A_381 : vector<512x128xf32>
    %min3A_398 = arith.minimumf %add3A_396, %min3A_381 : vector<512x128xf32>
    %jit3A_399 = arith.constant 23 : i32
    %broadcast_in_dim3A_400 = vector.broadcast %jit3A_399 : i32 to vector<512x128xi32>
    %select_n3A_401 = arith.select %lt3A_397, %broadcast_in_dim3A_400, %select_n3A_384 : vector<512x128xi1>, vector<512x128xi32>
    %get3A_402 = arith.constant 0 : index
    %get3A_403 = arith.constant 3072 : index
    %get3A_404 = vector.load %arg3[%get3A_402, %get3A_403] : memref<256x8192xf32, #tpu.memory_space<vmem>>, vector<256x128xf32>
    %dot_general3A_405 = arith.constant dense<0.000000e+00> : vector<512x128xf32>
    %dot_general3A_406 = tpu.matmul %get3A_1, %get3A_404, %dot_general3A_405 {dimension_numbers = #tpu.dot_dimension_numbers<[1], [0], [0], [1], [0, 0, 1, 1], [], []>, transpose_lhs_hint = false} : vector<512x256xf32>, vector<256x128xf32>, vector<512x128xf32> -> vector<512x128xf32>
    %sub3A_407 = vector.broadcast %get3A_4 : vector<512x1xf32> to vector<512x128xf32>
    %sub3A_408 = arith.subf %sub3A_407, %dot_general3A_406 : vector<512x128xf32>
    %get3A_409 = arith.constant 0 : index
    %get3A_410 = arith.constant 3072 : index
    %get3A_411 = vector.load %arg4[%get3A_409, %get3A_410] : memref<1x8192xf32, #tpu.memory_space<vmem>>, vector<1x128xf32>
    %add3A_412 = vector.broadcast %get3A_411 : vector<1x128xf32> to vector<512x128xf32>
    %add3A_413 = arith.addf %sub3A_408, %add3A_412 : vector<512x128xf32>
    %lt3A_414 = arith.cmpf olt, %add3A_413, %min3A_398 : vector<512x128xf32>
    %min3A_415 = arith.minimumf %add3A_413, %min3A_398 : vector<512x128xf32>
    %jit3A_416 = arith.constant 24 : i32
    %broadcast_in_dim3A_417 = vector.broadcast %jit3A_416 : i32 to vector<512x128xi32>
    %select_n3A_418 = arith.select %lt3A_414, %broadcast_in_dim3A_417, %select_n3A_401 : vector<512x128xi1>, vector<512x128xi32>
    %get3A_419 = arith.constant 0 : index
    %get3A_420 = arith.constant 3200 : index
    %get3A_421 = vector.load %arg3[%get3A_419, %get3A_420] : memref<256x8192xf32, #tpu.memory_space<vmem>>, vector<256x128xf32>
    %dot_general3A_422 = arith.constant dense<0.000000e+00> : vector<512x128xf32>
    %dot_general3A_423 = tpu.matmul %get3A_1, %get3A_421, %dot_general3A_422 {dimension_numbers = #tpu.dot_dimension_numbers<[1], [0], [0], [1], [0, 0, 1, 1], [], []>, transpose_lhs_hint = false} : vector<512x256xf32>, vector<256x128xf32>, vector<512x128xf32> -> vector<512x128xf32>
    %sub3A_424 = vector.broadcast %get3A_4 : vector<512x1xf32> to vector<512x128xf32>
    %sub3A_425 = arith.subf %sub3A_424, %dot_general3A_423 : vector<512x128xf32>
    %get3A_426 = arith.constant 0 : index
    %get3A_427 = arith.constant 3200 : index
    %get3A_428 = vector.load %arg4[%get3A_426, %get3A_427] : memref<1x8192xf32, #tpu.memory_space<vmem>>, vector<1x128xf32>
    %add3A_429 = vector.broadcast %get3A_428 : vector<1x128xf32> to vector<512x128xf32>
    %add3A_430 = arith.addf %sub3A_425, %add3A_429 : vector<512x128xf32>
    %lt3A_431 = arith.cmpf olt, %add3A_430, %min3A_415 : vector<512x128xf32>
    %min3A_432 = arith.minimumf %add3A_430, %min3A_415 : vector<512x128xf32>
    %jit3A_433 = arith.constant 25 : i32
    %broadcast_in_dim3A_434 = vector.broadcast %jit3A_433 : i32 to vector<512x128xi32>
    %select_n3A_435 = arith.select %lt3A_431, %broadcast_in_dim3A_434, %select_n3A_418 : vector<512x128xi1>, vector<512x128xi32>
    %get3A_436 = arith.constant 0 : index
    %get3A_437 = arith.constant 3328 : index
    %get3A_438 = vector.load %arg3[%get3A_436, %get3A_437] : memref<256x8192xf32, #tpu.memory_space<vmem>>, vector<256x128xf32>
    %dot_general3A_439 = arith.constant dense<0.000000e+00> : vector<512x128xf32>
    %dot_general3A_440 = tpu.matmul %get3A_1, %get3A_438, %dot_general3A_439 {dimension_numbers = #tpu.dot_dimension_numbers<[1], [0], [0], [1], [0, 0, 1, 1], [], []>, transpose_lhs_hint = false} : vector<512x256xf32>, vector<256x128xf32>, vector<512x128xf32> -> vector<512x128xf32>
    %sub3A_441 = vector.broadcast %get3A_4 : vector<512x1xf32> to vector<512x128xf32>
    %sub3A_442 = arith.subf %sub3A_441, %dot_general3A_440 : vector<512x128xf32>
    %get3A_443 = arith.constant 0 : index
    %get3A_444 = arith.constant 3328 : index
    %get3A_445 = vector.load %arg4[%get3A_443, %get3A_444] : memref<1x8192xf32, #tpu.memory_space<vmem>>, vector<1x128xf32>
    %add3A_446 = vector.broadcast %get3A_445 : vector<1x128xf32> to vector<512x128xf32>
    %add3A_447 = arith.addf %sub3A_442, %add3A_446 : vector<512x128xf32>
    %lt3A_448 = arith.cmpf olt, %add3A_447, %min3A_432 : vector<512x128xf32>
    %min3A_449 = arith.minimumf %add3A_447, %min3A_432 : vector<512x128xf32>
    %jit3A_450 = arith.constant 26 : i32
    %broadcast_in_dim3A_451 = vector.broadcast %jit3A_450 : i32 to vector<512x128xi32>
    %select_n3A_452 = arith.select %lt3A_448, %broadcast_in_dim3A_451, %select_n3A_435 : vector<512x128xi1>, vector<512x128xi32>
    %get3A_453 = arith.constant 0 : index
    %get3A_454 = arith.constant 3456 : index
    %get3A_455 = vector.load %arg3[%get3A_453, %get3A_454] : memref<256x8192xf32, #tpu.memory_space<vmem>>, vector<256x128xf32>
    %dot_general3A_456 = arith.constant dense<0.000000e+00> : vector<512x128xf32>
    %dot_general3A_457 = tpu.matmul %get3A_1, %get3A_455, %dot_general3A_456 {dimension_numbers = #tpu.dot_dimension_numbers<[1], [0], [0], [1], [0, 0, 1, 1], [], []>, transpose_lhs_hint = false} : vector<512x256xf32>, vector<256x128xf32>, vector<512x128xf32> -> vector<512x128xf32>
    %sub3A_458 = vector.broadcast %get3A_4 : vector<512x1xf32> to vector<512x128xf32>
    %sub3A_459 = arith.subf %sub3A_458, %dot_general3A_457 : vector<512x128xf32>
    %get3A_460 = arith.constant 0 : index
    %get3A_461 = arith.constant 3456 : index
    %get3A_462 = vector.load %arg4[%get3A_460, %get3A_461] : memref<1x8192xf32, #tpu.memory_space<vmem>>, vector<1x128xf32>
    %add3A_463 = vector.broadcast %get3A_462 : vector<1x128xf32> to vector<512x128xf32>
    %add3A_464 = arith.addf %sub3A_459, %add3A_463 : vector<512x128xf32>
    %lt3A_465 = arith.cmpf olt, %add3A_464, %min3A_449 : vector<512x128xf32>
    %min3A_466 = arith.minimumf %add3A_464, %min3A_449 : vector<512x128xf32>
    %jit3A_467 = arith.constant 27 : i32
    %broadcast_in_dim3A_468 = vector.broadcast %jit3A_467 : i32 to vector<512x128xi32>
    %select_n3A_469 = arith.select %lt3A_465, %broadcast_in_dim3A_468, %select_n3A_452 : vector<512x128xi1>, vector<512x128xi32>
    %get3A_470 = arith.constant 0 : index
    %get3A_471 = arith.constant 3584 : index
    %get3A_472 = vector.load %arg3[%get3A_470, %get3A_471] : memref<256x8192xf32, #tpu.memory_space<vmem>>, vector<256x128xf32>
    %dot_general3A_473 = arith.constant dense<0.000000e+00> : vector<512x128xf32>
    %dot_general3A_474 = tpu.matmul %get3A_1, %get3A_472, %dot_general3A_473 {dimension_numbers = #tpu.dot_dimension_numbers<[1], [0], [0], [1], [0, 0, 1, 1], [], []>, transpose_lhs_hint = false} : vector<512x256xf32>, vector<256x128xf32>, vector<512x128xf32> -> vector<512x128xf32>
    %sub3A_475 = vector.broadcast %get3A_4 : vector<512x1xf32> to vector<512x128xf32>
    %sub3A_476 = arith.subf %sub3A_475, %dot_general3A_474 : vector<512x128xf32>
    %get3A_477 = arith.constant 0 : index
    %get3A_478 = arith.constant 3584 : index
    %get3A_479 = vector.load %arg4[%get3A_477, %get3A_478] : memref<1x8192xf32, #tpu.memory_space<vmem>>, vector<1x128xf32>
    %add3A_480 = vector.broadcast %get3A_479 : vector<1x128xf32> to vector<512x128xf32>
    %add3A_481 = arith.addf %sub3A_476, %add3A_480 : vector<512x128xf32>
    %lt3A_482 = arith.cmpf olt, %add3A_481, %min3A_466 : vector<512x128xf32>
    %min3A_483 = arith.minimumf %add3A_481, %min3A_466 : vector<512x128xf32>
    %jit3A_484 = arith.constant 28 : i32
    %broadcast_in_dim3A_485 = vector.broadcast %jit3A_484 : i32 to vector<512x128xi32>
    %select_n3A_486 = arith.select %lt3A_482, %broadcast_in_dim3A_485, %select_n3A_469 : vector<512x128xi1>, vector<512x128xi32>
    %get3A_487 = arith.constant 0 : index
    %get3A_488 = arith.constant 3712 : index
    %get3A_489 = vector.load %arg3[%get3A_487, %get3A_488] : memref<256x8192xf32, #tpu.memory_space<vmem>>, vector<256x128xf32>
    %dot_general3A_490 = arith.constant dense<0.000000e+00> : vector<512x128xf32>
    %dot_general3A_491 = tpu.matmul %get3A_1, %get3A_489, %dot_general3A_490 {dimension_numbers = #tpu.dot_dimension_numbers<[1], [0], [0], [1], [0, 0, 1, 1], [], []>, transpose_lhs_hint = false} : vector<512x256xf32>, vector<256x128xf32>, vector<512x128xf32> -> vector<512x128xf32>
    %sub3A_492 = vector.broadcast %get3A_4 : vector<512x1xf32> to vector<512x128xf32>
    %sub3A_493 = arith.subf %sub3A_492, %dot_general3A_491 : vector<512x128xf32>
    %get3A_494 = arith.constant 0 : index
    %get3A_495 = arith.constant 3712 : index
    %get3A_496 = vector.load %arg4[%get3A_494, %get3A_495] : memref<1x8192xf32, #tpu.memory_space<vmem>>, vector<1x128xf32>
    %add3A_497 = vector.broadcast %get3A_496 : vector<1x128xf32> to vector<512x128xf32>
    %add3A_498 = arith.addf %sub3A_493, %add3A_497 : vector<512x128xf32>
    %lt3A_499 = arith.cmpf olt, %add3A_498, %min3A_483 : vector<512x128xf32>
    %min3A_500 = arith.minimumf %add3A_498, %min3A_483 : vector<512x128xf32>
    %jit3A_501 = arith.constant 29 : i32
    %broadcast_in_dim3A_502 = vector.broadcast %jit3A_501 : i32 to vector<512x128xi32>
    %select_n3A_503 = arith.select %lt3A_499, %broadcast_in_dim3A_502, %select_n3A_486 : vector<512x128xi1>, vector<512x128xi32>
    %get3A_504 = arith.constant 0 : index
    %get3A_505 = arith.constant 3840 : index
    %get3A_506 = vector.load %arg3[%get3A_504, %get3A_505] : memref<256x8192xf32, #tpu.memory_space<vmem>>, vector<256x128xf32>
    %dot_general3A_507 = arith.constant dense<0.000000e+00> : vector<512x128xf32>
    %dot_general3A_508 = tpu.matmul %get3A_1, %get3A_506, %dot_general3A_507 {dimension_numbers = #tpu.dot_dimension_numbers<[1], [0], [0], [1], [0, 0, 1, 1], [], []>, transpose_lhs_hint = false} : vector<512x256xf32>, vector<256x128xf32>, vector<512x128xf32> -> vector<512x128xf32>
    %sub3A_509 = vector.broadcast %get3A_4 : vector<512x1xf32> to vector<512x128xf32>
    %sub3A_510 = arith.subf %sub3A_509, %dot_general3A_508 : vector<512x128xf32>
    %get3A_511 = arith.constant 0 : index
    %get3A_512 = arith.constant 3840 : index
    %get3A_513 = vector.load %arg4[%get3A_511, %get3A_512] : memref<1x8192xf32, #tpu.memory_space<vmem>>, vector<1x128xf32>
    %add3A_514 = vector.broadcast %get3A_513 : vector<1x128xf32> to vector<512x128xf32>
    %add3A_515 = arith.addf %sub3A_510, %add3A_514 : vector<512x128xf32>
    %lt3A_516 = arith.cmpf olt, %add3A_515, %min3A_500 : vector<512x128xf32>
    %min3A_517 = arith.minimumf %add3A_515, %min3A_500 : vector<512x128xf32>
    %jit3A_518 = arith.constant 30 : i32
    %broadcast_in_dim3A_519 = vector.broadcast %jit3A_518 : i32 to vector<512x128xi32>
    %select_n3A_520 = arith.select %lt3A_516, %broadcast_in_dim3A_519, %select_n3A_503 : vector<512x128xi1>, vector<512x128xi32>
    %get3A_521 = arith.constant 0 : index
    %get3A_522 = arith.constant 3968 : index
    %get3A_523 = vector.load %arg3[%get3A_521, %get3A_522] : memref<256x8192xf32, #tpu.memory_space<vmem>>, vector<256x128xf32>
    %dot_general3A_524 = arith.constant dense<0.000000e+00> : vector<512x128xf32>
    %dot_general3A_525 = tpu.matmul %get3A_1, %get3A_523, %dot_general3A_524 {dimension_numbers = #tpu.dot_dimension_numbers<[1], [0], [0], [1], [0, 0, 1, 1], [], []>, transpose_lhs_hint = false} : vector<512x256xf32>, vector<256x128xf32>, vector<512x128xf32> -> vector<512x128xf32>
    %sub3A_526 = vector.broadcast %get3A_4 : vector<512x1xf32> to vector<512x128xf32>
    %sub3A_527 = arith.subf %sub3A_526, %dot_general3A_525 : vector<512x128xf32>
    %get3A_528 = arith.constant 0 : index
    %get3A_529 = arith.constant 3968 : index
    %get3A_530 = vector.load %arg4[%get3A_528, %get3A_529] : memref<1x8192xf32, #tpu.memory_space<vmem>>, vector<1x128xf32>
    %add3A_531 = vector.broadcast %get3A_530 : vector<1x128xf32> to vector<512x128xf32>
    %add3A_532 = arith.addf %sub3A_527, %add3A_531 : vector<512x128xf32>
    %lt3A_533 = arith.cmpf olt, %add3A_532, %min3A_517 : vector<512x128xf32>
    %min3A_534 = arith.minimumf %add3A_532, %min3A_517 : vector<512x128xf32>
    %jit3A_535 = arith.constant 31 : i32
    %broadcast_in_dim3A_536 = vector.broadcast %jit3A_535 : i32 to vector<512x128xi32>
    %select_n3A_537 = arith.select %lt3A_533, %broadcast_in_dim3A_536, %select_n3A_520 : vector<512x128xi1>, vector<512x128xi32>
    %get3A_538 = arith.constant 0 : index
    %get3A_539 = arith.constant 4096 : index
    %get3A_540 = vector.load %arg3[%get3A_538, %get3A_539] : memref<256x8192xf32, #tpu.memory_space<vmem>>, vector<256x128xf32>
    %dot_general3A_541 = arith.constant dense<0.000000e+00> : vector<512x128xf32>
    %dot_general3A_542 = tpu.matmul %get3A_1, %get3A_540, %dot_general3A_541 {dimension_numbers = #tpu.dot_dimension_numbers<[1], [0], [0], [1], [0, 0, 1, 1], [], []>, transpose_lhs_hint = false} : vector<512x256xf32>, vector<256x128xf32>, vector<512x128xf32> -> vector<512x128xf32>
    %sub3A_543 = vector.broadcast %get3A_4 : vector<512x1xf32> to vector<512x128xf32>
    %sub3A_544 = arith.subf %sub3A_543, %dot_general3A_542 : vector<512x128xf32>
    %get3A_545 = arith.constant 0 : index
    %get3A_546 = arith.constant 4096 : index
    %get3A_547 = vector.load %arg4[%get3A_545, %get3A_546] : memref<1x8192xf32, #tpu.memory_space<vmem>>, vector<1x128xf32>
    %add3A_548 = vector.broadcast %get3A_547 : vector<1x128xf32> to vector<512x128xf32>
    %add3A_549 = arith.addf %sub3A_544, %add3A_548 : vector<512x128xf32>
    %lt3A_550 = arith.cmpf olt, %add3A_549, %min3A_534 : vector<512x128xf32>
    %min3A_551 = arith.minimumf %add3A_549, %min3A_534 : vector<512x128xf32>
    %jit3A_552 = arith.constant 32 : i32
    %broadcast_in_dim3A_553 = vector.broadcast %jit3A_552 : i32 to vector<512x128xi32>
    %select_n3A_554 = arith.select %lt3A_550, %broadcast_in_dim3A_553, %select_n3A_537 : vector<512x128xi1>, vector<512x128xi32>
    %get3A_555 = arith.constant 0 : index
    %get3A_556 = arith.constant 4224 : index
    %get3A_557 = vector.load %arg3[%get3A_555, %get3A_556] : memref<256x8192xf32, #tpu.memory_space<vmem>>, vector<256x128xf32>
    %dot_general3A_558 = arith.constant dense<0.000000e+00> : vector<512x128xf32>
    %dot_general3A_559 = tpu.matmul %get3A_1, %get3A_557, %dot_general3A_558 {dimension_numbers = #tpu.dot_dimension_numbers<[1], [0], [0], [1], [0, 0, 1, 1], [], []>, transpose_lhs_hint = false} : vector<512x256xf32>, vector<256x128xf32>, vector<512x128xf32> -> vector<512x128xf32>
    %sub3A_560 = vector.broadcast %get3A_4 : vector<512x1xf32> to vector<512x128xf32>
    %sub3A_561 = arith.subf %sub3A_560, %dot_general3A_559 : vector<512x128xf32>
    %get3A_562 = arith.constant 0 : index
    %get3A_563 = arith.constant 4224 : index
    %get3A_564 = vector.load %arg4[%get3A_562, %get3A_563] : memref<1x8192xf32, #tpu.memory_space<vmem>>, vector<1x128xf32>
    %add3A_565 = vector.broadcast %get3A_564 : vector<1x128xf32> to vector<512x128xf32>
    %add3A_566 = arith.addf %sub3A_561, %add3A_565 : vector<512x128xf32>
    %lt3A_567 = arith.cmpf olt, %add3A_566, %min3A_551 : vector<512x128xf32>
    %min3A_568 = arith.minimumf %add3A_566, %min3A_551 : vector<512x128xf32>
    %jit3A_569 = arith.constant 33 : i32
    %broadcast_in_dim3A_570 = vector.broadcast %jit3A_569 : i32 to vector<512x128xi32>
    %select_n3A_571 = arith.select %lt3A_567, %broadcast_in_dim3A_570, %select_n3A_554 : vector<512x128xi1>, vector<512x128xi32>
    %get3A_572 = arith.constant 0 : index
    %get3A_573 = arith.constant 4352 : index
    %get3A_574 = vector.load %arg3[%get3A_572, %get3A_573] : memref<256x8192xf32, #tpu.memory_space<vmem>>, vector<256x128xf32>
    %dot_general3A_575 = arith.constant dense<0.000000e+00> : vector<512x128xf32>
    %dot_general3A_576 = tpu.matmul %get3A_1, %get3A_574, %dot_general3A_575 {dimension_numbers = #tpu.dot_dimension_numbers<[1], [0], [0], [1], [0, 0, 1, 1], [], []>, transpose_lhs_hint = false} : vector<512x256xf32>, vector<256x128xf32>, vector<512x128xf32> -> vector<512x128xf32>
    %sub3A_577 = vector.broadcast %get3A_4 : vector<512x1xf32> to vector<512x128xf32>
    %sub3A_578 = arith.subf %sub3A_577, %dot_general3A_576 : vector<512x128xf32>
    %get3A_579 = arith.constant 0 : index
    %get3A_580 = arith.constant 4352 : index
    %get3A_581 = vector.load %arg4[%get3A_579, %get3A_580] : memref<1x8192xf32, #tpu.memory_space<vmem>>, vector<1x128xf32>
    %add3A_582 = vector.broadcast %get3A_581 : vector<1x128xf32> to vector<512x128xf32>
    %add3A_583 = arith.addf %sub3A_578, %add3A_582 : vector<512x128xf32>
    %lt3A_584 = arith.cmpf olt, %add3A_583, %min3A_568 : vector<512x128xf32>
    %min3A_585 = arith.minimumf %add3A_583, %min3A_568 : vector<512x128xf32>
    %jit3A_586 = arith.constant 34 : i32
    %broadcast_in_dim3A_587 = vector.broadcast %jit3A_586 : i32 to vector<512x128xi32>
    %select_n3A_588 = arith.select %lt3A_584, %broadcast_in_dim3A_587, %select_n3A_571 : vector<512x128xi1>, vector<512x128xi32>
    %get3A_589 = arith.constant 0 : index
    %get3A_590 = arith.constant 4480 : index
    %get3A_591 = vector.load %arg3[%get3A_589, %get3A_590] : memref<256x8192xf32, #tpu.memory_space<vmem>>, vector<256x128xf32>
    %dot_general3A_592 = arith.constant dense<0.000000e+00> : vector<512x128xf32>
    %dot_general3A_593 = tpu.matmul %get3A_1, %get3A_591, %dot_general3A_592 {dimension_numbers = #tpu.dot_dimension_numbers<[1], [0], [0], [1], [0, 0, 1, 1], [], []>, transpose_lhs_hint = false} : vector<512x256xf32>, vector<256x128xf32>, vector<512x128xf32> -> vector<512x128xf32>
    %sub3A_594 = vector.broadcast %get3A_4 : vector<512x1xf32> to vector<512x128xf32>
    %sub3A_595 = arith.subf %sub3A_594, %dot_general3A_593 : vector<512x128xf32>
    %get3A_596 = arith.constant 0 : index
    %get3A_597 = arith.constant 4480 : index
    %get3A_598 = vector.load %arg4[%get3A_596, %get3A_597] : memref<1x8192xf32, #tpu.memory_space<vmem>>, vector<1x128xf32>
    %add3A_599 = vector.broadcast %get3A_598 : vector<1x128xf32> to vector<512x128xf32>
    %add3A_600 = arith.addf %sub3A_595, %add3A_599 : vector<512x128xf32>
    %lt3A_601 = arith.cmpf olt, %add3A_600, %min3A_585 : vector<512x128xf32>
    %min3A_602 = arith.minimumf %add3A_600, %min3A_585 : vector<512x128xf32>
    %jit3A_603 = arith.constant 35 : i32
    %broadcast_in_dim3A_604 = vector.broadcast %jit3A_603 : i32 to vector<512x128xi32>
    %select_n3A_605 = arith.select %lt3A_601, %broadcast_in_dim3A_604, %select_n3A_588 : vector<512x128xi1>, vector<512x128xi32>
    %get3A_606 = arith.constant 0 : index
    %get3A_607 = arith.constant 4608 : index
    %get3A_608 = vector.load %arg3[%get3A_606, %get3A_607] : memref<256x8192xf32, #tpu.memory_space<vmem>>, vector<256x128xf32>
    %dot_general3A_609 = arith.constant dense<0.000000e+00> : vector<512x128xf32>
    %dot_general3A_610 = tpu.matmul %get3A_1, %get3A_608, %dot_general3A_609 {dimension_numbers = #tpu.dot_dimension_numbers<[1], [0], [0], [1], [0, 0, 1, 1], [], []>, transpose_lhs_hint = false} : vector<512x256xf32>, vector<256x128xf32>, vector<512x128xf32> -> vector<512x128xf32>
    %sub3A_611 = vector.broadcast %get3A_4 : vector<512x1xf32> to vector<512x128xf32>
    %sub3A_612 = arith.subf %sub3A_611, %dot_general3A_610 : vector<512x128xf32>
    %get3A_613 = arith.constant 0 : index
    %get3A_614 = arith.constant 4608 : index
    %get3A_615 = vector.load %arg4[%get3A_613, %get3A_614] : memref<1x8192xf32, #tpu.memory_space<vmem>>, vector<1x128xf32>
    %add3A_616 = vector.broadcast %get3A_615 : vector<1x128xf32> to vector<512x128xf32>
    %add3A_617 = arith.addf %sub3A_612, %add3A_616 : vector<512x128xf32>
    %lt3A_618 = arith.cmpf olt, %add3A_617, %min3A_602 : vector<512x128xf32>
    %min3A_619 = arith.minimumf %add3A_617, %min3A_602 : vector<512x128xf32>
    %jit3A_620 = arith.constant 36 : i32
    %broadcast_in_dim3A_621 = vector.broadcast %jit3A_620 : i32 to vector<512x128xi32>
    %select_n3A_622 = arith.select %lt3A_618, %broadcast_in_dim3A_621, %select_n3A_605 : vector<512x128xi1>, vector<512x128xi32>
    %get3A_623 = arith.constant 0 : index
    %get3A_624 = arith.constant 4736 : index
    %get3A_625 = vector.load %arg3[%get3A_623, %get3A_624] : memref<256x8192xf32, #tpu.memory_space<vmem>>, vector<256x128xf32>
    %dot_general3A_626 = arith.constant dense<0.000000e+00> : vector<512x128xf32>
    %dot_general3A_627 = tpu.matmul %get3A_1, %get3A_625, %dot_general3A_626 {dimension_numbers = #tpu.dot_dimension_numbers<[1], [0], [0], [1], [0, 0, 1, 1], [], []>, transpose_lhs_hint = false} : vector<512x256xf32>, vector<256x128xf32>, vector<512x128xf32> -> vector<512x128xf32>
    %sub3A_628 = vector.broadcast %get3A_4 : vector<512x1xf32> to vector<512x128xf32>
    %sub3A_629 = arith.subf %sub3A_628, %dot_general3A_627 : vector<512x128xf32>
    %get3A_630 = arith.constant 0 : index
    %get3A_631 = arith.constant 4736 : index
    %get3A_632 = vector.load %arg4[%get3A_630, %get3A_631] : memref<1x8192xf32, #tpu.memory_space<vmem>>, vector<1x128xf32>
    %add3A_633 = vector.broadcast %get3A_632 : vector<1x128xf32> to vector<512x128xf32>
    %add3A_634 = arith.addf %sub3A_629, %add3A_633 : vector<512x128xf32>
    %lt3A_635 = arith.cmpf olt, %add3A_634, %min3A_619 : vector<512x128xf32>
    %min3A_636 = arith.minimumf %add3A_634, %min3A_619 : vector<512x128xf32>
    %jit3A_637 = arith.constant 37 : i32
    %broadcast_in_dim3A_638 = vector.broadcast %jit3A_637 : i32 to vector<512x128xi32>
    %select_n3A_639 = arith.select %lt3A_635, %broadcast_in_dim3A_638, %select_n3A_622 : vector<512x128xi1>, vector<512x128xi32>
    %get3A_640 = arith.constant 0 : index
    %get3A_641 = arith.constant 4864 : index
    %get3A_642 = vector.load %arg3[%get3A_640, %get3A_641] : memref<256x8192xf32, #tpu.memory_space<vmem>>, vector<256x128xf32>
    %dot_general3A_643 = arith.constant dense<0.000000e+00> : vector<512x128xf32>
    %dot_general3A_644 = tpu.matmul %get3A_1, %get3A_642, %dot_general3A_643 {dimension_numbers = #tpu.dot_dimension_numbers<[1], [0], [0], [1], [0, 0, 1, 1], [], []>, transpose_lhs_hint = false} : vector<512x256xf32>, vector<256x128xf32>, vector<512x128xf32> -> vector<512x128xf32>
    %sub3A_645 = vector.broadcast %get3A_4 : vector<512x1xf32> to vector<512x128xf32>
    %sub3A_646 = arith.subf %sub3A_645, %dot_general3A_644 : vector<512x128xf32>
    %get3A_647 = arith.constant 0 : index
    %get3A_648 = arith.constant 4864 : index
    %get3A_649 = vector.load %arg4[%get3A_647, %get3A_648] : memref<1x8192xf32, #tpu.memory_space<vmem>>, vector<1x128xf32>
    %add3A_650 = vector.broadcast %get3A_649 : vector<1x128xf32> to vector<512x128xf32>
    %add3A_651 = arith.addf %sub3A_646, %add3A_650 : vector<512x128xf32>
    %lt3A_652 = arith.cmpf olt, %add3A_651, %min3A_636 : vector<512x128xf32>
    %min3A_653 = arith.minimumf %add3A_651, %min3A_636 : vector<512x128xf32>
    %jit3A_654 = arith.constant 38 : i32
    %broadcast_in_dim3A_655 = vector.broadcast %jit3A_654 : i32 to vector<512x128xi32>
    %select_n3A_656 = arith.select %lt3A_652, %broadcast_in_dim3A_655, %select_n3A_639 : vector<512x128xi1>, vector<512x128xi32>
    %get3A_657 = arith.constant 0 : index
    %get3A_658 = arith.constant 4992 : index
    %get3A_659 = vector.load %arg3[%get3A_657, %get3A_658] : memref<256x8192xf32, #tpu.memory_space<vmem>>, vector<256x128xf32>
    %dot_general3A_660 = arith.constant dense<0.000000e+00> : vector<512x128xf32>
    %dot_general3A_661 = tpu.matmul %get3A_1, %get3A_659, %dot_general3A_660 {dimension_numbers = #tpu.dot_dimension_numbers<[1], [0], [0], [1], [0, 0, 1, 1], [], []>, transpose_lhs_hint = false} : vector<512x256xf32>, vector<256x128xf32>, vector<512x128xf32> -> vector<512x128xf32>
    %sub3A_662 = vector.broadcast %get3A_4 : vector<512x1xf32> to vector<512x128xf32>
    %sub3A_663 = arith.subf %sub3A_662, %dot_general3A_661 : vector<512x128xf32>
    %get3A_664 = arith.constant 0 : index
    %get3A_665 = arith.constant 4992 : index
    %get3A_666 = vector.load %arg4[%get3A_664, %get3A_665] : memref<1x8192xf32, #tpu.memory_space<vmem>>, vector<1x128xf32>
    %add3A_667 = vector.broadcast %get3A_666 : vector<1x128xf32> to vector<512x128xf32>
    %add3A_668 = arith.addf %sub3A_663, %add3A_667 : vector<512x128xf32>
    %lt3A_669 = arith.cmpf olt, %add3A_668, %min3A_653 : vector<512x128xf32>
    %min3A_670 = arith.minimumf %add3A_668, %min3A_653 : vector<512x128xf32>
    %jit3A_671 = arith.constant 39 : i32
    %broadcast_in_dim3A_672 = vector.broadcast %jit3A_671 : i32 to vector<512x128xi32>
    %select_n3A_673 = arith.select %lt3A_669, %broadcast_in_dim3A_672, %select_n3A_656 : vector<512x128xi1>, vector<512x128xi32>
    %get3A_674 = arith.constant 0 : index
    %get3A_675 = arith.constant 5120 : index
    %get3A_676 = vector.load %arg3[%get3A_674, %get3A_675] : memref<256x8192xf32, #tpu.memory_space<vmem>>, vector<256x128xf32>
    %dot_general3A_677 = arith.constant dense<0.000000e+00> : vector<512x128xf32>
    %dot_general3A_678 = tpu.matmul %get3A_1, %get3A_676, %dot_general3A_677 {dimension_numbers = #tpu.dot_dimension_numbers<[1], [0], [0], [1], [0, 0, 1, 1], [], []>, transpose_lhs_hint = false} : vector<512x256xf32>, vector<256x128xf32>, vector<512x128xf32> -> vector<512x128xf32>
    %sub3A_679 = vector.broadcast %get3A_4 : vector<512x1xf32> to vector<512x128xf32>
    %sub3A_680 = arith.subf %sub3A_679, %dot_general3A_678 : vector<512x128xf32>
    %get3A_681 = arith.constant 0 : index
    %get3A_682 = arith.constant 5120 : index
    %get3A_683 = vector.load %arg4[%get3A_681, %get3A_682] : memref<1x8192xf32, #tpu.memory_space<vmem>>, vector<1x128xf32>
    %add3A_684 = vector.broadcast %get3A_683 : vector<1x128xf32> to vector<512x128xf32>
    %add3A_685 = arith.addf %sub3A_680, %add3A_684 : vector<512x128xf32>
    %lt3A_686 = arith.cmpf olt, %add3A_685, %min3A_670 : vector<512x128xf32>
    %min3A_687 = arith.minimumf %add3A_685, %min3A_670 : vector<512x128xf32>
    %jit3A_688 = arith.constant 40 : i32
    %broadcast_in_dim3A_689 = vector.broadcast %jit3A_688 : i32 to vector<512x128xi32>
    %select_n3A_690 = arith.select %lt3A_686, %broadcast_in_dim3A_689, %select_n3A_673 : vector<512x128xi1>, vector<512x128xi32>
    %get3A_691 = arith.constant 0 : index
    %get3A_692 = arith.constant 5248 : index
    %get3A_693 = vector.load %arg3[%get3A_691, %get3A_692] : memref<256x8192xf32, #tpu.memory_space<vmem>>, vector<256x128xf32>
    %dot_general3A_694 = arith.constant dense<0.000000e+00> : vector<512x128xf32>
    %dot_general3A_695 = tpu.matmul %get3A_1, %get3A_693, %dot_general3A_694 {dimension_numbers = #tpu.dot_dimension_numbers<[1], [0], [0], [1], [0, 0, 1, 1], [], []>, transpose_lhs_hint = false} : vector<512x256xf32>, vector<256x128xf32>, vector<512x128xf32> -> vector<512x128xf32>
    %sub3A_696 = vector.broadcast %get3A_4 : vector<512x1xf32> to vector<512x128xf32>
    %sub3A_697 = arith.subf %sub3A_696, %dot_general3A_695 : vector<512x128xf32>
    %get3A_698 = arith.constant 0 : index
    %get3A_699 = arith.constant 5248 : index
    %get3A_700 = vector.load %arg4[%get3A_698, %get3A_699] : memref<1x8192xf32, #tpu.memory_space<vmem>>, vector<1x128xf32>
    %add3A_701 = vector.broadcast %get3A_700 : vector<1x128xf32> to vector<512x128xf32>
    %add3A_702 = arith.addf %sub3A_697, %add3A_701 : vector<512x128xf32>
    %lt3A_703 = arith.cmpf olt, %add3A_702, %min3A_687 : vector<512x128xf32>
    %min3A_704 = arith.minimumf %add3A_702, %min3A_687 : vector<512x128xf32>
    %jit3A_705 = arith.constant 41 : i32
    %broadcast_in_dim3A_706 = vector.broadcast %jit3A_705 : i32 to vector<512x128xi32>
    %select_n3A_707 = arith.select %lt3A_703, %broadcast_in_dim3A_706, %select_n3A_690 : vector<512x128xi1>, vector<512x128xi32>
    %get3A_708 = arith.constant 0 : index
    %get3A_709 = arith.constant 5376 : index
    %get3A_710 = vector.load %arg3[%get3A_708, %get3A_709] : memref<256x8192xf32, #tpu.memory_space<vmem>>, vector<256x128xf32>
    %dot_general3A_711 = arith.constant dense<0.000000e+00> : vector<512x128xf32>
    %dot_general3A_712 = tpu.matmul %get3A_1, %get3A_710, %dot_general3A_711 {dimension_numbers = #tpu.dot_dimension_numbers<[1], [0], [0], [1], [0, 0, 1, 1], [], []>, transpose_lhs_hint = false} : vector<512x256xf32>, vector<256x128xf32>, vector<512x128xf32> -> vector<512x128xf32>
    %sub3A_713 = vector.broadcast %get3A_4 : vector<512x1xf32> to vector<512x128xf32>
    %sub3A_714 = arith.subf %sub3A_713, %dot_general3A_712 : vector<512x128xf32>
    %get3A_715 = arith.constant 0 : index
    %get3A_716 = arith.constant 5376 : index
    %get3A_717 = vector.load %arg4[%get3A_715, %get3A_716] : memref<1x8192xf32, #tpu.memory_space<vmem>>, vector<1x128xf32>
    %add3A_718 = vector.broadcast %get3A_717 : vector<1x128xf32> to vector<512x128xf32>
    %add3A_719 = arith.addf %sub3A_714, %add3A_718 : vector<512x128xf32>
    %lt3A_720 = arith.cmpf olt, %add3A_719, %min3A_704 : vector<512x128xf32>
    %min3A_721 = arith.minimumf %add3A_719, %min3A_704 : vector<512x128xf32>
    %jit3A_722 = arith.constant 42 : i32
    %broadcast_in_dim3A_723 = vector.broadcast %jit3A_722 : i32 to vector<512x128xi32>
    %select_n3A_724 = arith.select %lt3A_720, %broadcast_in_dim3A_723, %select_n3A_707 : vector<512x128xi1>, vector<512x128xi32>
    %get3A_725 = arith.constant 0 : index
    %get3A_726 = arith.constant 5504 : index
    %get3A_727 = vector.load %arg3[%get3A_725, %get3A_726] : memref<256x8192xf32, #tpu.memory_space<vmem>>, vector<256x128xf32>
    %dot_general3A_728 = arith.constant dense<0.000000e+00> : vector<512x128xf32>
    %dot_general3A_729 = tpu.matmul %get3A_1, %get3A_727, %dot_general3A_728 {dimension_numbers = #tpu.dot_dimension_numbers<[1], [0], [0], [1], [0, 0, 1, 1], [], []>, transpose_lhs_hint = false} : vector<512x256xf32>, vector<256x128xf32>, vector<512x128xf32> -> vector<512x128xf32>
    %sub3A_730 = vector.broadcast %get3A_4 : vector<512x1xf32> to vector<512x128xf32>
    %sub3A_731 = arith.subf %sub3A_730, %dot_general3A_729 : vector<512x128xf32>
    %get3A_732 = arith.constant 0 : index
    %get3A_733 = arith.constant 5504 : index
    %get3A_734 = vector.load %arg4[%get3A_732, %get3A_733] : memref<1x8192xf32, #tpu.memory_space<vmem>>, vector<1x128xf32>
    %add3A_735 = vector.broadcast %get3A_734 : vector<1x128xf32> to vector<512x128xf32>
    %add3A_736 = arith.addf %sub3A_731, %add3A_735 : vector<512x128xf32>
    %lt3A_737 = arith.cmpf olt, %add3A_736, %min3A_721 : vector<512x128xf32>
    %min3A_738 = arith.minimumf %add3A_736, %min3A_721 : vector<512x128xf32>
    %jit3A_739 = arith.constant 43 : i32
    %broadcast_in_dim3A_740 = vector.broadcast %jit3A_739 : i32 to vector<512x128xi32>
    %select_n3A_741 = arith.select %lt3A_737, %broadcast_in_dim3A_740, %select_n3A_724 : vector<512x128xi1>, vector<512x128xi32>
    %get3A_742 = arith.constant 0 : index
    %get3A_743 = arith.constant 5632 : index
    %get3A_744 = vector.load %arg3[%get3A_742, %get3A_743] : memref<256x8192xf32, #tpu.memory_space<vmem>>, vector<256x128xf32>
    %dot_general3A_745 = arith.constant dense<0.000000e+00> : vector<512x128xf32>
    %dot_general3A_746 = tpu.matmul %get3A_1, %get3A_744, %dot_general3A_745 {dimension_numbers = #tpu.dot_dimension_numbers<[1], [0], [0], [1], [0, 0, 1, 1], [], []>, transpose_lhs_hint = false} : vector<512x256xf32>, vector<256x128xf32>, vector<512x128xf32> -> vector<512x128xf32>
    %sub3A_747 = vector.broadcast %get3A_4 : vector<512x1xf32> to vector<512x128xf32>
    %sub3A_748 = arith.subf %sub3A_747, %dot_general3A_746 : vector<512x128xf32>
    %get3A_749 = arith.constant 0 : index
    %get3A_750 = arith.constant 5632 : index
    %get3A_751 = vector.load %arg4[%get3A_749, %get3A_750] : memref<1x8192xf32, #tpu.memory_space<vmem>>, vector<1x128xf32>
    %add3A_752 = vector.broadcast %get3A_751 : vector<1x128xf32> to vector<512x128xf32>
    %add3A_753 = arith.addf %sub3A_748, %add3A_752 : vector<512x128xf32>
    %lt3A_754 = arith.cmpf olt, %add3A_753, %min3A_738 : vector<512x128xf32>
    %min3A_755 = arith.minimumf %add3A_753, %min3A_738 : vector<512x128xf32>
    %jit3A_756 = arith.constant 44 : i32
    %broadcast_in_dim3A_757 = vector.broadcast %jit3A_756 : i32 to vector<512x128xi32>
    %select_n3A_758 = arith.select %lt3A_754, %broadcast_in_dim3A_757, %select_n3A_741 : vector<512x128xi1>, vector<512x128xi32>
    %get3A_759 = arith.constant 0 : index
    %get3A_760 = arith.constant 5760 : index
    %get3A_761 = vector.load %arg3[%get3A_759, %get3A_760] : memref<256x8192xf32, #tpu.memory_space<vmem>>, vector<256x128xf32>
    %dot_general3A_762 = arith.constant dense<0.000000e+00> : vector<512x128xf32>
    %dot_general3A_763 = tpu.matmul %get3A_1, %get3A_761, %dot_general3A_762 {dimension_numbers = #tpu.dot_dimension_numbers<[1], [0], [0], [1], [0, 0, 1, 1], [], []>, transpose_lhs_hint = false} : vector<512x256xf32>, vector<256x128xf32>, vector<512x128xf32> -> vector<512x128xf32>
    %sub3A_764 = vector.broadcast %get3A_4 : vector<512x1xf32> to vector<512x128xf32>
    %sub3A_765 = arith.subf %sub3A_764, %dot_general3A_763 : vector<512x128xf32>
    %get3A_766 = arith.constant 0 : index
    %get3A_767 = arith.constant 5760 : index
    %get3A_768 = vector.load %arg4[%get3A_766, %get3A_767] : memref<1x8192xf32, #tpu.memory_space<vmem>>, vector<1x128xf32>
    %add3A_769 = vector.broadcast %get3A_768 : vector<1x128xf32> to vector<512x128xf32>
    %add3A_770 = arith.addf %sub3A_765, %add3A_769 : vector<512x128xf32>
    %lt3A_771 = arith.cmpf olt, %add3A_770, %min3A_755 : vector<512x128xf32>
    %min3A_772 = arith.minimumf %add3A_770, %min3A_755 : vector<512x128xf32>
    %jit3A_773 = arith.constant 45 : i32
    %broadcast_in_dim3A_774 = vector.broadcast %jit3A_773 : i32 to vector<512x128xi32>
    %select_n3A_775 = arith.select %lt3A_771, %broadcast_in_dim3A_774, %select_n3A_758 : vector<512x128xi1>, vector<512x128xi32>
    %get3A_776 = arith.constant 0 : index
    %get3A_777 = arith.constant 5888 : index
    %get3A_778 = vector.load %arg3[%get3A_776, %get3A_777] : memref<256x8192xf32, #tpu.memory_space<vmem>>, vector<256x128xf32>
    %dot_general3A_779 = arith.constant dense<0.000000e+00> : vector<512x128xf32>
    %dot_general3A_780 = tpu.matmul %get3A_1, %get3A_778, %dot_general3A_779 {dimension_numbers = #tpu.dot_dimension_numbers<[1], [0], [0], [1], [0, 0, 1, 1], [], []>, transpose_lhs_hint = false} : vector<512x256xf32>, vector<256x128xf32>, vector<512x128xf32> -> vector<512x128xf32>
    %sub3A_781 = vector.broadcast %get3A_4 : vector<512x1xf32> to vector<512x128xf32>
    %sub3A_782 = arith.subf %sub3A_781, %dot_general3A_780 : vector<512x128xf32>
    %get3A_783 = arith.constant 0 : index
    %get3A_784 = arith.constant 5888 : index
    %get3A_785 = vector.load %arg4[%get3A_783, %get3A_784] : memref<1x8192xf32, #tpu.memory_space<vmem>>, vector<1x128xf32>
    %add3A_786 = vector.broadcast %get3A_785 : vector<1x128xf32> to vector<512x128xf32>
    %add3A_787 = arith.addf %sub3A_782, %add3A_786 : vector<512x128xf32>
    %lt3A_788 = arith.cmpf olt, %add3A_787, %min3A_772 : vector<512x128xf32>
    %min3A_789 = arith.minimumf %add3A_787, %min3A_772 : vector<512x128xf32>
    %jit3A_790 = arith.constant 46 : i32
    %broadcast_in_dim3A_791 = vector.broadcast %jit3A_790 : i32 to vector<512x128xi32>
    %select_n3A_792 = arith.select %lt3A_788, %broadcast_in_dim3A_791, %select_n3A_775 : vector<512x128xi1>, vector<512x128xi32>
    %get3A_793 = arith.constant 0 : index
    %get3A_794 = arith.constant 6016 : index
    %get3A_795 = vector.load %arg3[%get3A_793, %get3A_794] : memref<256x8192xf32, #tpu.memory_space<vmem>>, vector<256x128xf32>
    %dot_general3A_796 = arith.constant dense<0.000000e+00> : vector<512x128xf32>
    %dot_general3A_797 = tpu.matmul %get3A_1, %get3A_795, %dot_general3A_796 {dimension_numbers = #tpu.dot_dimension_numbers<[1], [0], [0], [1], [0, 0, 1, 1], [], []>, transpose_lhs_hint = false} : vector<512x256xf32>, vector<256x128xf32>, vector<512x128xf32> -> vector<512x128xf32>
    %sub3A_798 = vector.broadcast %get3A_4 : vector<512x1xf32> to vector<512x128xf32>
    %sub3A_799 = arith.subf %sub3A_798, %dot_general3A_797 : vector<512x128xf32>
    %get3A_800 = arith.constant 0 : index
    %get3A_801 = arith.constant 6016 : index
    %get3A_802 = vector.load %arg4[%get3A_800, %get3A_801] : memref<1x8192xf32, #tpu.memory_space<vmem>>, vector<1x128xf32>
    %add3A_803 = vector.broadcast %get3A_802 : vector<1x128xf32> to vector<512x128xf32>
    %add3A_804 = arith.addf %sub3A_799, %add3A_803 : vector<512x128xf32>
    %lt3A_805 = arith.cmpf olt, %add3A_804, %min3A_789 : vector<512x128xf32>
    %min3A_806 = arith.minimumf %add3A_804, %min3A_789 : vector<512x128xf32>
    %jit3A_807 = arith.constant 47 : i32
    %broadcast_in_dim3A_808 = vector.broadcast %jit3A_807 : i32 to vector<512x128xi32>
    %select_n3A_809 = arith.select %lt3A_805, %broadcast_in_dim3A_808, %select_n3A_792 : vector<512x128xi1>, vector<512x128xi32>
    %get3A_810 = arith.constant 0 : index
    %get3A_811 = arith.constant 6144 : index
    %get3A_812 = vector.load %arg3[%get3A_810, %get3A_811] : memref<256x8192xf32, #tpu.memory_space<vmem>>, vector<256x128xf32>
    %dot_general3A_813 = arith.constant dense<0.000000e+00> : vector<512x128xf32>
    %dot_general3A_814 = tpu.matmul %get3A_1, %get3A_812, %dot_general3A_813 {dimension_numbers = #tpu.dot_dimension_numbers<[1], [0], [0], [1], [0, 0, 1, 1], [], []>, transpose_lhs_hint = false} : vector<512x256xf32>, vector<256x128xf32>, vector<512x128xf32> -> vector<512x128xf32>
    %sub3A_815 = vector.broadcast %get3A_4 : vector<512x1xf32> to vector<512x128xf32>
    %sub3A_816 = arith.subf %sub3A_815, %dot_general3A_814 : vector<512x128xf32>
    %get3A_817 = arith.constant 0 : index
    %get3A_818 = arith.constant 6144 : index
    %get3A_819 = vector.load %arg4[%get3A_817, %get3A_818] : memref<1x8192xf32, #tpu.memory_space<vmem>>, vector<1x128xf32>
    %add3A_820 = vector.broadcast %get3A_819 : vector<1x128xf32> to vector<512x128xf32>
    %add3A_821 = arith.addf %sub3A_816, %add3A_820 : vector<512x128xf32>
    %lt3A_822 = arith.cmpf olt, %add3A_821, %min3A_806 : vector<512x128xf32>
    %min3A_823 = arith.minimumf %add3A_821, %min3A_806 : vector<512x128xf32>
    %jit3A_824 = arith.constant 48 : i32
    %broadcast_in_dim3A_825 = vector.broadcast %jit3A_824 : i32 to vector<512x128xi32>
    %select_n3A_826 = arith.select %lt3A_822, %broadcast_in_dim3A_825, %select_n3A_809 : vector<512x128xi1>, vector<512x128xi32>
    %get3A_827 = arith.constant 0 : index
    %get3A_828 = arith.constant 6272 : index
    %get3A_829 = vector.load %arg3[%get3A_827, %get3A_828] : memref<256x8192xf32, #tpu.memory_space<vmem>>, vector<256x128xf32>
    %dot_general3A_830 = arith.constant dense<0.000000e+00> : vector<512x128xf32>
    %dot_general3A_831 = tpu.matmul %get3A_1, %get3A_829, %dot_general3A_830 {dimension_numbers = #tpu.dot_dimension_numbers<[1], [0], [0], [1], [0, 0, 1, 1], [], []>, transpose_lhs_hint = false} : vector<512x256xf32>, vector<256x128xf32>, vector<512x128xf32> -> vector<512x128xf32>
    %sub3A_832 = vector.broadcast %get3A_4 : vector<512x1xf32> to vector<512x128xf32>
    %sub3A_833 = arith.subf %sub3A_832, %dot_general3A_831 : vector<512x128xf32>
    %get3A_834 = arith.constant 0 : index
    %get3A_835 = arith.constant 6272 : index
    %get3A_836 = vector.load %arg4[%get3A_834, %get3A_835] : memref<1x8192xf32, #tpu.memory_space<vmem>>, vector<1x128xf32>
    %add3A_837 = vector.broadcast %get3A_836 : vector<1x128xf32> to vector<512x128xf32>
    %add3A_838 = arith.addf %sub3A_833, %add3A_837 : vector<512x128xf32>
    %lt3A_839 = arith.cmpf olt, %add3A_838, %min3A_823 : vector<512x128xf32>
    %min3A_840 = arith.minimumf %add3A_838, %min3A_823 : vector<512x128xf32>
    %jit3A_841 = arith.constant 49 : i32
    %broadcast_in_dim3A_842 = vector.broadcast %jit3A_841 : i32 to vector<512x128xi32>
    %select_n3A_843 = arith.select %lt3A_839, %broadcast_in_dim3A_842, %select_n3A_826 : vector<512x128xi1>, vector<512x128xi32>
    %get3A_844 = arith.constant 0 : index
    %get3A_845 = arith.constant 6400 : index
    %get3A_846 = vector.load %arg3[%get3A_844, %get3A_845] : memref<256x8192xf32, #tpu.memory_space<vmem>>, vector<256x128xf32>
    %dot_general3A_847 = arith.constant dense<0.000000e+00> : vector<512x128xf32>
    %dot_general3A_848 = tpu.matmul %get3A_1, %get3A_846, %dot_general3A_847 {dimension_numbers = #tpu.dot_dimension_numbers<[1], [0], [0], [1], [0, 0, 1, 1], [], []>, transpose_lhs_hint = false} : vector<512x256xf32>, vector<256x128xf32>, vector<512x128xf32> -> vector<512x128xf32>
    %sub3A_849 = vector.broadcast %get3A_4 : vector<512x1xf32> to vector<512x128xf32>
    %sub3A_850 = arith.subf %sub3A_849, %dot_general3A_848 : vector<512x128xf32>
    %get3A_851 = arith.constant 0 : index
    %get3A_852 = arith.constant 6400 : index
    %get3A_853 = vector.load %arg4[%get3A_851, %get3A_852] : memref<1x8192xf32, #tpu.memory_space<vmem>>, vector<1x128xf32>
    %add3A_854 = vector.broadcast %get3A_853 : vector<1x128xf32> to vector<512x128xf32>
    %add3A_855 = arith.addf %sub3A_850, %add3A_854 : vector<512x128xf32>
    %lt3A_856 = arith.cmpf olt, %add3A_855, %min3A_840 : vector<512x128xf32>
    %min3A_857 = arith.minimumf %add3A_855, %min3A_840 : vector<512x128xf32>
    %jit3A_858 = arith.constant 50 : i32
    %broadcast_in_dim3A_859 = vector.broadcast %jit3A_858 : i32 to vector<512x128xi32>
    %select_n3A_860 = arith.select %lt3A_856, %broadcast_in_dim3A_859, %select_n3A_843 : vector<512x128xi1>, vector<512x128xi32>
    %get3A_861 = arith.constant 0 : index
    %get3A_862 = arith.constant 6528 : index
    %get3A_863 = vector.load %arg3[%get3A_861, %get3A_862] : memref<256x8192xf32, #tpu.memory_space<vmem>>, vector<256x128xf32>
    %dot_general3A_864 = arith.constant dense<0.000000e+00> : vector<512x128xf32>
    %dot_general3A_865 = tpu.matmul %get3A_1, %get3A_863, %dot_general3A_864 {dimension_numbers = #tpu.dot_dimension_numbers<[1], [0], [0], [1], [0, 0, 1, 1], [], []>, transpose_lhs_hint = false} : vector<512x256xf32>, vector<256x128xf32>, vector<512x128xf32> -> vector<512x128xf32>
    %sub3A_866 = vector.broadcast %get3A_4 : vector<512x1xf32> to vector<512x128xf32>
    %sub3A_867 = arith.subf %sub3A_866, %dot_general3A_865 : vector<512x128xf32>
    %get3A_868 = arith.constant 0 : index
    %get3A_869 = arith.constant 6528 : index
    %get3A_870 = vector.load %arg4[%get3A_868, %get3A_869] : memref<1x8192xf32, #tpu.memory_space<vmem>>, vector<1x128xf32>
    %add3A_871 = vector.broadcast %get3A_870 : vector<1x128xf32> to vector<512x128xf32>
    %add3A_872 = arith.addf %sub3A_867, %add3A_871 : vector<512x128xf32>
    %lt3A_873 = arith.cmpf olt, %add3A_872, %min3A_857 : vector<512x128xf32>
    %min3A_874 = arith.minimumf %add3A_872, %min3A_857 : vector<512x128xf32>
    %jit3A_875 = arith.constant 51 : i32
    %broadcast_in_dim3A_876 = vector.broadcast %jit3A_875 : i32 to vector<512x128xi32>
    %select_n3A_877 = arith.select %lt3A_873, %broadcast_in_dim3A_876, %select_n3A_860 : vector<512x128xi1>, vector<512x128xi32>
    %get3A_878 = arith.constant 0 : index
    %get3A_879 = arith.constant 6656 : index
    %get3A_880 = vector.load %arg3[%get3A_878, %get3A_879] : memref<256x8192xf32, #tpu.memory_space<vmem>>, vector<256x128xf32>
    %dot_general3A_881 = arith.constant dense<0.000000e+00> : vector<512x128xf32>
    %dot_general3A_882 = tpu.matmul %get3A_1, %get3A_880, %dot_general3A_881 {dimension_numbers = #tpu.dot_dimension_numbers<[1], [0], [0], [1], [0, 0, 1, 1], [], []>, transpose_lhs_hint = false} : vector<512x256xf32>, vector<256x128xf32>, vector<512x128xf32> -> vector<512x128xf32>
    %sub3A_883 = vector.broadcast %get3A_4 : vector<512x1xf32> to vector<512x128xf32>
    %sub3A_884 = arith.subf %sub3A_883, %dot_general3A_882 : vector<512x128xf32>
    %get3A_885 = arith.constant 0 : index
    %get3A_886 = arith.constant 6656 : index
    %get3A_887 = vector.load %arg4[%get3A_885, %get3A_886] : memref<1x8192xf32, #tpu.memory_space<vmem>>, vector<1x128xf32>
    %add3A_888 = vector.broadcast %get3A_887 : vector<1x128xf32> to vector<512x128xf32>
    %add3A_889 = arith.addf %sub3A_884, %add3A_888 : vector<512x128xf32>
    %lt3A_890 = arith.cmpf olt, %add3A_889, %min3A_874 : vector<512x128xf32>
    %min3A_891 = arith.minimumf %add3A_889, %min3A_874 : vector<512x128xf32>
    %jit3A_892 = arith.constant 52 : i32
    %broadcast_in_dim3A_893 = vector.broadcast %jit3A_892 : i32 to vector<512x128xi32>
    %select_n3A_894 = arith.select %lt3A_890, %broadcast_in_dim3A_893, %select_n3A_877 : vector<512x128xi1>, vector<512x128xi32>
    %get3A_895 = arith.constant 0 : index
    %get3A_896 = arith.constant 6784 : index
    %get3A_897 = vector.load %arg3[%get3A_895, %get3A_896] : memref<256x8192xf32, #tpu.memory_space<vmem>>, vector<256x128xf32>
    %dot_general3A_898 = arith.constant dense<0.000000e+00> : vector<512x128xf32>
    %dot_general3A_899 = tpu.matmul %get3A_1, %get3A_897, %dot_general3A_898 {dimension_numbers = #tpu.dot_dimension_numbers<[1], [0], [0], [1], [0, 0, 1, 1], [], []>, transpose_lhs_hint = false} : vector<512x256xf32>, vector<256x128xf32>, vector<512x128xf32> -> vector<512x128xf32>
    %sub3A_900 = vector.broadcast %get3A_4 : vector<512x1xf32> to vector<512x128xf32>
    %sub3A_901 = arith.subf %sub3A_900, %dot_general3A_899 : vector<512x128xf32>
    %get3A_902 = arith.constant 0 : index
    %get3A_903 = arith.constant 6784 : index
    %get3A_904 = vector.load %arg4[%get3A_902, %get3A_903] : memref<1x8192xf32, #tpu.memory_space<vmem>>, vector<1x128xf32>
    %add3A_905 = vector.broadcast %get3A_904 : vector<1x128xf32> to vector<512x128xf32>
    %add3A_906 = arith.addf %sub3A_901, %add3A_905 : vector<512x128xf32>
    %lt3A_907 = arith.cmpf olt, %add3A_906, %min3A_891 : vector<512x128xf32>
    %min3A_908 = arith.minimumf %add3A_906, %min3A_891 : vector<512x128xf32>
    %jit3A_909 = arith.constant 53 : i32
    %broadcast_in_dim3A_910 = vector.broadcast %jit3A_909 : i32 to vector<512x128xi32>
    %select_n3A_911 = arith.select %lt3A_907, %broadcast_in_dim3A_910, %select_n3A_894 : vector<512x128xi1>, vector<512x128xi32>
    %get3A_912 = arith.constant 0 : index
    %get3A_913 = arith.constant 6912 : index
    %get3A_914 = vector.load %arg3[%get3A_912, %get3A_913] : memref<256x8192xf32, #tpu.memory_space<vmem>>, vector<256x128xf32>
    %dot_general3A_915 = arith.constant dense<0.000000e+00> : vector<512x128xf32>
    %dot_general3A_916 = tpu.matmul %get3A_1, %get3A_914, %dot_general3A_915 {dimension_numbers = #tpu.dot_dimension_numbers<[1], [0], [0], [1], [0, 0, 1, 1], [], []>, transpose_lhs_hint = false} : vector<512x256xf32>, vector<256x128xf32>, vector<512x128xf32> -> vector<512x128xf32>
    %sub3A_917 = vector.broadcast %get3A_4 : vector<512x1xf32> to vector<512x128xf32>
    %sub3A_918 = arith.subf %sub3A_917, %dot_general3A_916 : vector<512x128xf32>
    %get3A_919 = arith.constant 0 : index
    %get3A_920 = arith.constant 6912 : index
    %get3A_921 = vector.load %arg4[%get3A_919, %get3A_920] : memref<1x8192xf32, #tpu.memory_space<vmem>>, vector<1x128xf32>
    %add3A_922 = vector.broadcast %get3A_921 : vector<1x128xf32> to vector<512x128xf32>
    %add3A_923 = arith.addf %sub3A_918, %add3A_922 : vector<512x128xf32>
    %lt3A_924 = arith.cmpf olt, %add3A_923, %min3A_908 : vector<512x128xf32>
    %min3A_925 = arith.minimumf %add3A_923, %min3A_908 : vector<512x128xf32>
    %jit3A_926 = arith.constant 54 : i32
    %broadcast_in_dim3A_927 = vector.broadcast %jit3A_926 : i32 to vector<512x128xi32>
    %select_n3A_928 = arith.select %lt3A_924, %broadcast_in_dim3A_927, %select_n3A_911 : vector<512x128xi1>, vector<512x128xi32>
    %get3A_929 = arith.constant 0 : index
    %get3A_930 = arith.constant 7040 : index
    %get3A_931 = vector.load %arg3[%get3A_929, %get3A_930] : memref<256x8192xf32, #tpu.memory_space<vmem>>, vector<256x128xf32>
    %dot_general3A_932 = arith.constant dense<0.000000e+00> : vector<512x128xf32>
    %dot_general3A_933 = tpu.matmul %get3A_1, %get3A_931, %dot_general3A_932 {dimension_numbers = #tpu.dot_dimension_numbers<[1], [0], [0], [1], [0, 0, 1, 1], [], []>, transpose_lhs_hint = false} : vector<512x256xf32>, vector<256x128xf32>, vector<512x128xf32> -> vector<512x128xf32>
    %sub3A_934 = vector.broadcast %get3A_4 : vector<512x1xf32> to vector<512x128xf32>
    %sub3A_935 = arith.subf %sub3A_934, %dot_general3A_933 : vector<512x128xf32>
    %get3A_936 = arith.constant 0 : index
    %get3A_937 = arith.constant 7040 : index
    %get3A_938 = vector.load %arg4[%get3A_936, %get3A_937] : memref<1x8192xf32, #tpu.memory_space<vmem>>, vector<1x128xf32>
    %add3A_939 = vector.broadcast %get3A_938 : vector<1x128xf32> to vector<512x128xf32>
    %add3A_940 = arith.addf %sub3A_935, %add3A_939 : vector<512x128xf32>
    %lt3A_941 = arith.cmpf olt, %add3A_940, %min3A_925 : vector<512x128xf32>
    %min3A_942 = arith.minimumf %add3A_940, %min3A_925 : vector<512x128xf32>
    %jit3A_943 = arith.constant 55 : i32
    %broadcast_in_dim3A_944 = vector.broadcast %jit3A_943 : i32 to vector<512x128xi32>
    %select_n3A_945 = arith.select %lt3A_941, %broadcast_in_dim3A_944, %select_n3A_928 : vector<512x128xi1>, vector<512x128xi32>
    %get3A_946 = arith.constant 0 : index
    %get3A_947 = arith.constant 7168 : index
    %get3A_948 = vector.load %arg3[%get3A_946, %get3A_947] : memref<256x8192xf32, #tpu.memory_space<vmem>>, vector<256x128xf32>
    %dot_general3A_949 = arith.constant dense<0.000000e+00> : vector<512x128xf32>
    %dot_general3A_950 = tpu.matmul %get3A_1, %get3A_948, %dot_general3A_949 {dimension_numbers = #tpu.dot_dimension_numbers<[1], [0], [0], [1], [0, 0, 1, 1], [], []>, transpose_lhs_hint = false} : vector<512x256xf32>, vector<256x128xf32>, vector<512x128xf32> -> vector<512x128xf32>
    %sub3A_951 = vector.broadcast %get3A_4 : vector<512x1xf32> to vector<512x128xf32>
    %sub3A_952 = arith.subf %sub3A_951, %dot_general3A_950 : vector<512x128xf32>
    %get3A_953 = arith.constant 0 : index
    %get3A_954 = arith.constant 7168 : index
    %get3A_955 = vector.load %arg4[%get3A_953, %get3A_954] : memref<1x8192xf32, #tpu.memory_space<vmem>>, vector<1x128xf32>
    %add3A_956 = vector.broadcast %get3A_955 : vector<1x128xf32> to vector<512x128xf32>
    %add3A_957 = arith.addf %sub3A_952, %add3A_956 : vector<512x128xf32>
    %lt3A_958 = arith.cmpf olt, %add3A_957, %min3A_942 : vector<512x128xf32>
    %min3A_959 = arith.minimumf %add3A_957, %min3A_942 : vector<512x128xf32>
    %jit3A_960 = arith.constant 56 : i32
    %broadcast_in_dim3A_961 = vector.broadcast %jit3A_960 : i32 to vector<512x128xi32>
    %select_n3A_962 = arith.select %lt3A_958, %broadcast_in_dim3A_961, %select_n3A_945 : vector<512x128xi1>, vector<512x128xi32>
    %get3A_963 = arith.constant 0 : index
    %get3A_964 = arith.constant 7296 : index
    %get3A_965 = vector.load %arg3[%get3A_963, %get3A_964] : memref<256x8192xf32, #tpu.memory_space<vmem>>, vector<256x128xf32>
    %dot_general3A_966 = arith.constant dense<0.000000e+00> : vector<512x128xf32>
    %dot_general3A_967 = tpu.matmul %get3A_1, %get3A_965, %dot_general3A_966 {dimension_numbers = #tpu.dot_dimension_numbers<[1], [0], [0], [1], [0, 0, 1, 1], [], []>, transpose_lhs_hint = false} : vector<512x256xf32>, vector<256x128xf32>, vector<512x128xf32> -> vector<512x128xf32>
    %sub3A_968 = vector.broadcast %get3A_4 : vector<512x1xf32> to vector<512x128xf32>
    %sub3A_969 = arith.subf %sub3A_968, %dot_general3A_967 : vector<512x128xf32>
    %get3A_970 = arith.constant 0 : index
    %get3A_971 = arith.constant 7296 : index
    %get3A_972 = vector.load %arg4[%get3A_970, %get3A_971] : memref<1x8192xf32, #tpu.memory_space<vmem>>, vector<1x128xf32>
    %add3A_973 = vector.broadcast %get3A_972 : vector<1x128xf32> to vector<512x128xf32>
    %add3A_974 = arith.addf %sub3A_969, %add3A_973 : vector<512x128xf32>
    %lt3A_975 = arith.cmpf olt, %add3A_974, %min3A_959 : vector<512x128xf32>
    %min3A_976 = arith.minimumf %add3A_974, %min3A_959 : vector<512x128xf32>
    %jit3A_977 = arith.constant 57 : i32
    %broadcast_in_dim3A_978 = vector.broadcast %jit3A_977 : i32 to vector<512x128xi32>
    %select_n3A_979 = arith.select %lt3A_975, %broadcast_in_dim3A_978, %select_n3A_962 : vector<512x128xi1>, vector<512x128xi32>
    %get3A_980 = arith.constant 0 : index
    %get3A_981 = arith.constant 7424 : index
    %get3A_982 = vector.load %arg3[%get3A_980, %get3A_981] : memref<256x8192xf32, #tpu.memory_space<vmem>>, vector<256x128xf32>
    %dot_general3A_983 = arith.constant dense<0.000000e+00> : vector<512x128xf32>
    %dot_general3A_984 = tpu.matmul %get3A_1, %get3A_982, %dot_general3A_983 {dimension_numbers = #tpu.dot_dimension_numbers<[1], [0], [0], [1], [0, 0, 1, 1], [], []>, transpose_lhs_hint = false} : vector<512x256xf32>, vector<256x128xf32>, vector<512x128xf32> -> vector<512x128xf32>
    %sub3A_985 = vector.broadcast %get3A_4 : vector<512x1xf32> to vector<512x128xf32>
    %sub3A_986 = arith.subf %sub3A_985, %dot_general3A_984 : vector<512x128xf32>
    %get3A_987 = arith.constant 0 : index
    %get3A_988 = arith.constant 7424 : index
    %get3A_989 = vector.load %arg4[%get3A_987, %get3A_988] : memref<1x8192xf32, #tpu.memory_space<vmem>>, vector<1x128xf32>
    %add3A_990 = vector.broadcast %get3A_989 : vector<1x128xf32> to vector<512x128xf32>
    %add3A_991 = arith.addf %sub3A_986, %add3A_990 : vector<512x128xf32>
    %lt3A_992 = arith.cmpf olt, %add3A_991, %min3A_976 : vector<512x128xf32>
    %min3A_993 = arith.minimumf %add3A_991, %min3A_976 : vector<512x128xf32>
    %jit3A_994 = arith.constant 58 : i32
    %broadcast_in_dim3A_995 = vector.broadcast %jit3A_994 : i32 to vector<512x128xi32>
    %select_n3A_996 = arith.select %lt3A_992, %broadcast_in_dim3A_995, %select_n3A_979 : vector<512x128xi1>, vector<512x128xi32>
    %get3A_997 = arith.constant 0 : index
    %get3A_998 = arith.constant 7552 : index
    %get3A_999 = vector.load %arg3[%get3A_997, %get3A_998] : memref<256x8192xf32, #tpu.memory_space<vmem>>, vector<256x128xf32>
    %dot_general3A_1000 = arith.constant dense<0.000000e+00> : vector<512x128xf32>
    %dot_general3A_1001 = tpu.matmul %get3A_1, %get3A_999, %dot_general3A_1000 {dimension_numbers = #tpu.dot_dimension_numbers<[1], [0], [0], [1], [0, 0, 1, 1], [], []>, transpose_lhs_hint = false} : vector<512x256xf32>, vector<256x128xf32>, vector<512x128xf32> -> vector<512x128xf32>
    %sub3A_1002 = vector.broadcast %get3A_4 : vector<512x1xf32> to vector<512x128xf32>
    %sub3A_1003 = arith.subf %sub3A_1002, %dot_general3A_1001 : vector<512x128xf32>
    %get3A_1004 = arith.constant 0 : index
    %get3A_1005 = arith.constant 7552 : index
    %get3A_1006 = vector.load %arg4[%get3A_1004, %get3A_1005] : memref<1x8192xf32, #tpu.memory_space<vmem>>, vector<1x128xf32>
    %add3A_1007 = vector.broadcast %get3A_1006 : vector<1x128xf32> to vector<512x128xf32>
    %add3A_1008 = arith.addf %sub3A_1003, %add3A_1007 : vector<512x128xf32>
    %lt3A_1009 = arith.cmpf olt, %add3A_1008, %min3A_993 : vector<512x128xf32>
    %min3A_1010 = arith.minimumf %add3A_1008, %min3A_993 : vector<512x128xf32>
    %jit3A_1011 = arith.constant 59 : i32
    %broadcast_in_dim3A_1012 = vector.broadcast %jit3A_1011 : i32 to vector<512x128xi32>
    %select_n3A_1013 = arith.select %lt3A_1009, %broadcast_in_dim3A_1012, %select_n3A_996 : vector<512x128xi1>, vector<512x128xi32>
    %get3A_1014 = arith.constant 0 : index
    %get3A_1015 = arith.constant 7680 : index
    %get3A_1016 = vector.load %arg3[%get3A_1014, %get3A_1015] : memref<256x8192xf32, #tpu.memory_space<vmem>>, vector<256x128xf32>
    %dot_general3A_1017 = arith.constant dense<0.000000e+00> : vector<512x128xf32>
    %dot_general3A_1018 = tpu.matmul %get3A_1, %get3A_1016, %dot_general3A_1017 {dimension_numbers = #tpu.dot_dimension_numbers<[1], [0], [0], [1], [0, 0, 1, 1], [], []>, transpose_lhs_hint = false} : vector<512x256xf32>, vector<256x128xf32>, vector<512x128xf32> -> vector<512x128xf32>
    %sub3A_1019 = vector.broadcast %get3A_4 : vector<512x1xf32> to vector<512x128xf32>
    %sub3A_1020 = arith.subf %sub3A_1019, %dot_general3A_1018 : vector<512x128xf32>
    %get3A_1021 = arith.constant 0 : index
    %get3A_1022 = arith.constant 7680 : index
    %get3A_1023 = vector.load %arg4[%get3A_1021, %get3A_1022] : memref<1x8192xf32, #tpu.memory_space<vmem>>, vector<1x128xf32>
    %add3A_1024 = vector.broadcast %get3A_1023 : vector<1x128xf32> to vector<512x128xf32>
    %add3A_1025 = arith.addf %sub3A_1020, %add3A_1024 : vector<512x128xf32>
    %lt3A_1026 = arith.cmpf olt, %add3A_1025, %min3A_1010 : vector<512x128xf32>
    %min3A_1027 = arith.minimumf %add3A_1025, %min3A_1010 : vector<512x128xf32>
    %jit3A_1028 = arith.constant 60 : i32
    %broadcast_in_dim3A_1029 = vector.broadcast %jit3A_1028 : i32 to vector<512x128xi32>
    %select_n3A_1030 = arith.select %lt3A_1026, %broadcast_in_dim3A_1029, %select_n3A_1013 : vector<512x128xi1>, vector<512x128xi32>
    %get3A_1031 = arith.constant 0 : index
    %get3A_1032 = arith.constant 7808 : index
    %get3A_1033 = vector.load %arg3[%get3A_1031, %get3A_1032] : memref<256x8192xf32, #tpu.memory_space<vmem>>, vector<256x128xf32>
    %dot_general3A_1034 = arith.constant dense<0.000000e+00> : vector<512x128xf32>
    %dot_general3A_1035 = tpu.matmul %get3A_1, %get3A_1033, %dot_general3A_1034 {dimension_numbers = #tpu.dot_dimension_numbers<[1], [0], [0], [1], [0, 0, 1, 1], [], []>, transpose_lhs_hint = false} : vector<512x256xf32>, vector<256x128xf32>, vector<512x128xf32> -> vector<512x128xf32>
    %sub3A_1036 = vector.broadcast %get3A_4 : vector<512x1xf32> to vector<512x128xf32>
    %sub3A_1037 = arith.subf %sub3A_1036, %dot_general3A_1035 : vector<512x128xf32>
    %get3A_1038 = arith.constant 0 : index
    %get3A_1039 = arith.constant 7808 : index
    %get3A_1040 = vector.load %arg4[%get3A_1038, %get3A_1039] : memref<1x8192xf32, #tpu.memory_space<vmem>>, vector<1x128xf32>
    %add3A_1041 = vector.broadcast %get3A_1040 : vector<1x128xf32> to vector<512x128xf32>
    %add3A_1042 = arith.addf %sub3A_1037, %add3A_1041 : vector<512x128xf32>
    %lt3A_1043 = arith.cmpf olt, %add3A_1042, %min3A_1027 : vector<512x128xf32>
    %min3A_1044 = arith.minimumf %add3A_1042, %min3A_1027 : vector<512x128xf32>
    %jit3A_1045 = arith.constant 61 : i32
    %broadcast_in_dim3A_1046 = vector.broadcast %jit3A_1045 : i32 to vector<512x128xi32>
    %select_n3A_1047 = arith.select %lt3A_1043, %broadcast_in_dim3A_1046, %select_n3A_1030 : vector<512x128xi1>, vector<512x128xi32>
    %get3A_1048 = arith.constant 0 : index
    %get3A_1049 = arith.constant 7936 : index
    %get3A_1050 = vector.load %arg3[%get3A_1048, %get3A_1049] : memref<256x8192xf32, #tpu.memory_space<vmem>>, vector<256x128xf32>
    %dot_general3A_1051 = arith.constant dense<0.000000e+00> : vector<512x128xf32>
    %dot_general3A_1052 = tpu.matmul %get3A_1, %get3A_1050, %dot_general3A_1051 {dimension_numbers = #tpu.dot_dimension_numbers<[1], [0], [0], [1], [0, 0, 1, 1], [], []>, transpose_lhs_hint = false} : vector<512x256xf32>, vector<256x128xf32>, vector<512x128xf32> -> vector<512x128xf32>
    %sub3A_1053 = vector.broadcast %get3A_4 : vector<512x1xf32> to vector<512x128xf32>
    %sub3A_1054 = arith.subf %sub3A_1053, %dot_general3A_1052 : vector<512x128xf32>
    %get3A_1055 = arith.constant 0 : index
    %get3A_1056 = arith.constant 7936 : index
    %get3A_1057 = vector.load %arg4[%get3A_1055, %get3A_1056] : memref<1x8192xf32, #tpu.memory_space<vmem>>, vector<1x128xf32>
    %add3A_1058 = vector.broadcast %get3A_1057 : vector<1x128xf32> to vector<512x128xf32>
    %add3A_1059 = arith.addf %sub3A_1054, %add3A_1058 : vector<512x128xf32>
    %lt3A_1060 = arith.cmpf olt, %add3A_1059, %min3A_1044 : vector<512x128xf32>
    %min3A_1061 = arith.minimumf %add3A_1059, %min3A_1044 : vector<512x128xf32>
    %jit3A_1062 = arith.constant 62 : i32
    %broadcast_in_dim3A_1063 = vector.broadcast %jit3A_1062 : i32 to vector<512x128xi32>
    %select_n3A_1064 = arith.select %lt3A_1060, %broadcast_in_dim3A_1063, %select_n3A_1047 : vector<512x128xi1>, vector<512x128xi32>
    %get3A_1065 = arith.constant 0 : index
    %get3A_1066 = arith.constant 8064 : index
    %get3A_1067 = vector.load %arg3[%get3A_1065, %get3A_1066] : memref<256x8192xf32, #tpu.memory_space<vmem>>, vector<256x128xf32>
    %dot_general3A_1068 = arith.constant dense<0.000000e+00> : vector<512x128xf32>
    %dot_general3A_1069 = tpu.matmul %get3A_1, %get3A_1067, %dot_general3A_1068 {dimension_numbers = #tpu.dot_dimension_numbers<[1], [0], [0], [1], [0, 0, 1, 1], [], []>, transpose_lhs_hint = false} : vector<512x256xf32>, vector<256x128xf32>, vector<512x128xf32> -> vector<512x128xf32>
    %sub3A_1070 = vector.broadcast %get3A_4 : vector<512x1xf32> to vector<512x128xf32>
    %sub3A_1071 = arith.subf %sub3A_1070, %dot_general3A_1069 : vector<512x128xf32>
    %get3A_1072 = arith.constant 0 : index
    %get3A_1073 = arith.constant 8064 : index
    %get3A_1074 = vector.load %arg4[%get3A_1072, %get3A_1073] : memref<1x8192xf32, #tpu.memory_space<vmem>>, vector<1x128xf32>
    %add3A_1075 = vector.broadcast %get3A_1074 : vector<1x128xf32> to vector<512x128xf32>
    %add3A_1076 = arith.addf %sub3A_1071, %add3A_1075 : vector<512x128xf32>
    %lt3A_1077 = arith.cmpf olt, %add3A_1076, %min3A_1061 : vector<512x128xf32>
    %min3A_1078 = arith.minimumf %add3A_1076, %min3A_1061 : vector<512x128xf32>
    %jit3A_1079 = arith.constant 63 : i32
    %broadcast_in_dim3A_1080 = vector.broadcast %jit3A_1079 : i32 to vector<512x128xi32>
    %select_n3A_1081 = arith.select %lt3A_1077, %broadcast_in_dim3A_1080, %select_n3A_1064 : vector<512x128xi1>, vector<512x128xi32>
    %reduce_min3A = arith.constant dense<0x7F800000> : vector<512xf32>
    %reduce_min3A_1082 = vector.multi_reduction <minimumf>, %min3A_1078, %reduce_min3A [1] : vector<512x128xf32> to vector<512xf32>
    %broadcast_in_dim3A_1083 = vector.shape_cast %reduce_min3A_1082 : vector<512xf32> to vector<512x1xf32>
    %max3A = arith.constant 0.000000e+00 : f32
    %max3A_1084 = vector.broadcast %max3A : f32 to vector<512x1xf32>
    %max3A_1085 = arith.maximumf %broadcast_in_dim3A_1083, %max3A_1084 : vector<512x1xf32>
    %sqrt3A = math.sqrt %max3A_1085 : vector<512x1xf32>
    %max3A_1086 = arith.constant 0.000000e+00 : f32
    %max3A_1087 = vector.broadcast %max3A_1086 : f32 to vector<512x128xf32>
    %max3A_1088 = arith.maximumf %min3A_1078, %max3A_1087 : vector<512x128xf32>
    %sqrt3A_1089 = math.sqrt %max3A_1088 : vector<512x128xf32>
    %iota3A = tpu.iota {dimensions = array<i32: 1>} : vector<512x128xi32>
    %mul3A = arith.constant 128 : i32
    %mul3A_1090 = vector.broadcast %mul3A : i32 to vector<512x128xi32>
    %mul3A_1091 = arith.muli %select_n3A_1081, %mul3A_1090 : vector<512x128xi32>
    %add3A_1092 = arith.addi %mul3A_1091, %iota3A : vector<512x128xi32>
    %eq3A = vector.broadcast %sqrt3A : vector<512x1xf32> to vector<512x128xf32>
    %eq3A_1093 = arith.cmpf oeq, %sqrt3A_1089, %eq3A : vector<512x128xf32>
    %jit3A_1094 = arith.constant 1073741824 : i32
    %broadcast_in_dim3A_1095 = vector.broadcast %jit3A_1094 : i32 to vector<512x128xi32>
    %select_n3A_1096 = arith.select %eq3A_1093, %add3A_1092, %broadcast_in_dim3A_1095 : vector<512x128xi1>, vector<512x128xi32>
    %reduce_min3A_1097 = arith.constant dense<2147483647> : vector<512xi32>
    %reduce_min3A_1098 = vector.multi_reduction <minsi>, %select_n3A_1096, %reduce_min3A_1097 [1] : vector<512x128xi32> to vector<512xi32>
    %broadcast_in_dim3A_1099 = vector.shape_cast %reduce_min3A_1098 : vector<512xi32> to vector<512x1xi32>
    %swap3A = arith.constant 0 : index
    %swap3A_1100 = arith.constant 0 : index
    %swap3A_1101 = vector.load %arg5[%swap3A, %swap3A_1100] : memref<512x1xi32, #tpu.memory_space<vmem>>, vector<512x1xi32>
    tpu.vector_store %arg5[%swap3A, %swap3A_1100], %broadcast_in_dim3A_1099 {strides = array<i32>} : memref<512x1xi32, #tpu.memory_space<vmem>>, vector<512x1xi32>,
    %max3A_1102 = arith.constant 0.000000e+00 : f32
    %max3A_1103 = vector.broadcast %max3A_1102 : f32 to vector<512x1xf32>
    %max3A_1104 = arith.maximumf %broadcast_in_dim3A_1083, %max3A_1103 : vector<512x1xf32>
    %reduce_sum3A = vector.shape_cast %max3A_1104 : vector<512x1xf32> to vector<1x512x1xf32>
    %reduce_sum3A_1105 = arith.constant dense<0.000000e+00> : vector<1xf32>
    %reduce_sum3A_1106 = vector.multi_reduction <add>, %reduce_sum3A, %reduce_sum3A_1105 [1, 2] : vector<1x512x1xf32> to vector<1xf32>
    %reduce_sum3A_1107 = vector.shape_cast %reduce_sum3A_1106 : vector<1xf32> to vector<1x1x1xf32>
    %reduce_sum3A_1108 = vector.extract %reduce_sum3A_1107[0, 0, 0] : f32 from vector<1x1x1xf32>
    %reshape3A = vector.broadcast %reduce_sum3A_1108 : f32 to vector<1x1xf32>
    %iota3A_1109 = tpu.iota {dimensions = array<i32: 1>} : vector<512x64xi32>
    %shift_right_arithmetic3A = arith.constant 7 : i32
    %shift_right_arithmetic3A_1110 = vector.broadcast %shift_right_arithmetic3A : i32 to vector<512x1xi32>
    %shift_right_arithmetic3A_1111 = arith.shrsi %broadcast_in_dim3A_1099, %shift_right_arithmetic3A_1110 : vector<512x1xi32>
    %eq3A_1112 = vector.broadcast %shift_right_arithmetic3A_1111 : vector<512x1xi32> to vector<512x64xi32>
    %eq3A_1113 = arith.cmpi eq, %iota3A_1109, %eq3A_1112 : vector<512x64xi32>
    %convert_element_type3A = arith.extui %eq3A_1113 : vector<512x64xi1> to vector<512x64xi32>
    %convert_element_type3A_1114 = arith.sitofp %convert_element_type3A : vector<512x64xi32> to vector<512x64xf32>
    %iota3A_1115 = tpu.iota {dimensions = array<i32: 1>} : vector<512x128xi32>
    %and3A = arith.constant 127 : i32
    %and3A_1116 = vector.broadcast %and3A : i32 to vector<512x1xi32>
    %and3A_1117 = arith.andi %broadcast_in_dim3A_1099, %and3A_1116 : vector<512x1xi32>
    %eq3A_1118 = vector.broadcast %and3A_1117 : vector<512x1xi32> to vector<512x128xi32>
    %eq3A_1119 = arith.cmpi eq, %iota3A_1115, %eq3A_1118 : vector<512x128xi32>
    %convert_element_type3A_1120 = arith.extui %eq3A_1119 : vector<512x128xi1> to vector<512x128xi32>
    %convert_element_type3A_1121 = arith.sitofp %convert_element_type3A_1120 : vector<512x128xi32> to vector<512x128xf32>
    %dot_general3A_1122 = arith.constant dense<0.000000e+00> : vector<64x128xf32>
    %dot_general3A_1123 = tpu.matmul %convert_element_type3A_1114, %convert_element_type3A_1121, %dot_general3A_1122 {dimension_numbers = #tpu.dot_dimension_numbers<[0], [0], [1], [1], [0, 1, 1, 1], [], []>, transpose_lhs_hint = false} : vector<512x64xf32>, vector<512x128xf32>, vector<64x128xf32> -> vector<64x128xf32>
    %eq3A_1124 = arith.constant 0 : i32
    %eq3A_1125 = arith.cmpi eq, %arg0, %eq3A_1124 : i32
    %convert_element_type3A_1126 = arith.extui %eq3A_1125 : i1 to i32
    %cond3A = arith.constant 0 : i32
    %cond3A_1127 = arith.cmpi ne, %convert_element_type3A_1126, %cond3A : i32
    scf.if %cond3A_1127 {
      %swap3A_1137 = arith.constant 0 : index
      %swap3A_1138 = arith.constant 0 : index
      %swap3A_1139 = vector.load %arg10[%swap3A_1137, %swap3A_1138] : memref<1x1xf32, #tpu.memory_space<vmem>>, vector<1x1xf32>
      tpu.vector_store %arg10[%swap3A_1137, %swap3A_1138], %reshape3A {strides = array<i32>} : memref<1x1xf32, #tpu.memory_space<vmem>>, vector<1x1xf32>,
      %swap3A_1140 = arith.constant 0 : index
      %swap3A_1141 = arith.constant 0 : index
      %swap3A_1142 = vector.load %arg9[%swap3A_1140, %swap3A_1141] : memref<64x128xf32, #tpu.memory_space<vmem>>, vector<64x128xf32>
      tpu.vector_store %arg9[%swap3A_1140, %swap3A_1141], %dot_general3A_1123 {strides = array<i32>} : memref<64x128xf32, #tpu.memory_space<vmem>>, vector<64x128xf32>,
    } else {
    }
    %gt3A = arith.constant 0 : i32
    %gt3A_1128 = arith.cmpi sgt, %arg0, %gt3A : i32
    %convert_element_type3A_1129 = arith.extui %gt3A_1128 : i1 to i32
    %cond3A_1130 = arith.constant 0 : i32
    %cond3A_1131 = arith.cmpi ne, %convert_element_type3A_1129, %cond3A_1130 : i32
    scf.if %cond3A_1131 {
      %get3A_1137 = arith.constant 0 : index
      %get3A_1138 = arith.constant 0 : index
      %get3A_1139 = vector.load %arg10[%get3A_1137, %get3A_1138] : memref<1x1xf32, #tpu.memory_space<vmem>>, vector<1x1xf32>
      %add3A_1140 = arith.addf %get3A_1139, %reshape3A : vector<1x1xf32>
      %swap3A_1141 = arith.constant 0 : index
      %swap3A_1142 = arith.constant 0 : index
      %swap3A_1143 = vector.load %arg10[%swap3A_1141, %swap3A_1142] : memref<1x1xf32, #tpu.memory_space<vmem>>, vector<1x1xf32>
      tpu.vector_store %arg10[%swap3A_1141, %swap3A_1142], %add3A_1140 {strides = array<i32>} : memref<1x1xf32, #tpu.memory_space<vmem>>, vector<1x1xf32>,
      %get3A_1144 = arith.constant 0 : index
      %get3A_1145 = arith.constant 0 : index
      %get3A_1146 = vector.load %arg9[%get3A_1144, %get3A_1145] : memref<64x128xf32, #tpu.memory_space<vmem>>, vector<64x128xf32>
      %add3A_1147 = arith.addf %get3A_1146, %dot_general3A_1123 : vector<64x128xf32>
      %swap3A_1148 = arith.constant 0 : index
      %swap3A_1149 = arith.constant 0 : index
      %swap3A_1150 = vector.load %arg9[%swap3A_1148, %swap3A_1149] : memref<64x128xf32, #tpu.memory_space<vmem>>, vector<64x128xf32>
      tpu.vector_store %arg9[%swap3A_1148, %swap3A_1149], %add3A_1147 {strides = array<i32>} : memref<64x128xf32, #tpu.memory_space<vmem>>, vector<64x128xf32>,
    } else {
    }
    %eq3A_1132 = arith.constant 35 : i32
    %eq3A_1133 = arith.cmpi eq, %arg0, %eq3A_1132 : i32
    %convert_element_type3A_1134 = arith.extui %eq3A_1133 : i1 to i32
    %cond3A_1135 = arith.constant 0 : i32
    %cond3A_1136 = arith.cmpi ne, %convert_element_type3A_1134, %cond3A_1135 : i32
    scf.if %cond3A_1136 {
      %get3A_1137 = arith.constant 0 : index
      %get3A_1138 = arith.constant 0 : index
      %get3A_1139 = vector.load %arg10[%get3A_1137, %get3A_1138] : memref<1x1xf32, #tpu.memory_space<vmem>>, vector<1x1xf32>
      %div3A = arith.constant 0x4A900000 : f32
      %div3A_1140 = vector.broadcast %div3A : f32 to vector<1x1xf32>
      %div3A_1141 = arith.divf %get3A_1139, %div3A_1140 : vector<1x1xf32>
      %mul3A_1142 = arith.constant 2.500000e-01 : f32
      %mul3A_1143 = vector.broadcast %mul3A_1142 : f32 to vector<1x1xf32>
      %mul3A_1144 = arith.mulf %mul3A_1143, %div3A_1141 : vector<1x1xf32>
      %swap3A_1145 = arith.constant 0 : index
      %swap3A_1146 = arith.constant 0 : index
      %swap3A_1147 = vector.load %arg6[%swap3A_1145, %swap3A_1146] : memref<1x1xf32, #tpu.memory_space<vmem>>, vector<1x1xf32>
      tpu.vector_store %arg6[%swap3A_1145, %swap3A_1146], %mul3A_1144 {strides = array<i32>} : memref<1x1xf32, #tpu.memory_space<vmem>>, vector<1x1xf32>,
      %get3A_1148 = arith.constant 0 : index
      %get3A_1149 = arith.constant 0 : index
      %get3A_1150 = vector.load %arg9[%get3A_1148, %get3A_1149] : memref<64x128xf32, #tpu.memory_space<vmem>>, vector<64x128xf32>
      %div3A_1151 = arith.constant 1.843200e+04 : f32
      %div3A_1152 = vector.broadcast %div3A_1151 : f32 to vector<64x128xf32>
      %div3A_1153 = arith.divf %get3A_1150, %div3A_1152 : vector<64x128xf32>
      %add3A_1154 = arith.constant 1.000000e-10 : f32
      %add3A_1155 = vector.broadcast %add3A_1154 : f32 to vector<64x128xf32>
      %add3A_1156 = arith.addf %div3A_1153, %add3A_1155 : vector<64x128xf32>
      %log3A = math.log %add3A_1156 : vector<64x128xf32>
      %mul3A_1157 = arith.mulf %div3A_1153, %log3A : vector<64x128xf32>
      %reduce_sum3A_1158 = vector.shape_cast %mul3A_1157 : vector<64x128xf32> to vector<1x64x128xf32>
      %reduce_sum3A_1159 = arith.constant dense<0.000000e+00> : vector<1xf32>
      %reduce_sum3A_1160 = vector.multi_reduction <add>, %reduce_sum3A_1158, %reduce_sum3A_1159 [1, 2] : vector<1x64x128xf32> to vector<1xf32>
      %reduce_sum3A_1161 = vector.shape_cast %reduce_sum3A_1160 : vector<1xf32> to vector<1x1x1xf32>
      %reduce_sum3A_1162 = vector.extract %reduce_sum3A_1161[0, 0, 0] : f32 from vector<1x1x1xf32>
      %reshape3A_1163 = vector.broadcast %reduce_sum3A_1162 : f32 to vector<1x1xf32>
      %neg3A = arith.constant 0.000000e+00 : f32
      %neg3A_1164 = vector.broadcast %neg3A : f32 to vector<1x1xf32>
      %neg3A_1165 = arith.subf %neg3A_1164, %reshape3A_1163 : vector<1x1xf32>
      %exp3A = math.exp %neg3A_1165 : vector<1x1xf32>
      %swap3A_1166 = arith.constant 0 : index
      %swap3A_1167 = arith.constant 0 : index
      %swap3A_1168 = vector.load %arg7[%swap3A_1166, %swap3A_1167] : memref<1x1xf32, #tpu.memory_space<vmem>>, vector<1x1xf32>
      tpu.vector_store %arg7[%swap3A_1166, %swap3A_1167], %exp3A {strides = array<i32>} : memref<1x1xf32, #tpu.memory_space<vmem>>, vector<1x1xf32>,
      %gt3A_1169 = arith.constant 1.000000e-03 : f32
      %gt3A_1170 = vector.broadcast %gt3A_1169 : f32 to vector<64x128xf32>
      %gt3A_1171 = arith.cmpf ogt, %div3A_1153, %gt3A_1170 : vector<64x128xf32>
      %convert_element_type3A_1172 = arith.extui %gt3A_1171 : vector<64x128xi1> to vector<64x128xi32>
      %reduce_sum3A_1173 = vector.shape_cast %convert_element_type3A_1172 : vector<64x128xi32> to vector<1x64x128xi32>
      %reduce_sum3A_1174 = arith.constant dense<0> : vector<1xi32>
      %reduce_sum3A_1175 = vector.multi_reduction <add>, %reduce_sum3A_1173, %reduce_sum3A_1174 [1, 2] : vector<1x64x128xi32> to vector<1xi32>
      %reduce_sum3A_1176 = vector.shape_cast %reduce_sum3A_1175 : vector<1xi32> to vector<1x1x1xi32>
      %reduce_sum3A_1177 = vector.extract %reduce_sum3A_1176[0, 0, 0] : i32 from vector<1x1x1xi32>
      %reshape3A_1178 = vector.broadcast %reduce_sum3A_1177 : i32 to vector<1x1xi32>
      %swap3A_1179 = arith.constant 0 : index
      %swap3A_1180 = arith.constant 0 : index
      %swap3A_1181 = vector.load %arg8[%swap3A_1179, %swap3A_1180] : memref<1x1xi32, #tpu.memory_space<vmem>>, vector<1x1xi32>
      tpu.vector_store %arg8[%swap3A_1179, %swap3A_1180], %reshape3A_1178 {strides = array<i32>} : memref<1x1xi32, #tpu.memory_space<vmem>>, vector<1x1xi32>,
    } else {
    }
    return
  }
  func.func @transform_0(%arg0: i32) -> (i32, i32) {
    %c0_i32 = arith.constant 0 : i32
    %c0_i32_0 = arith.constant 0 : i32
    return %arg0, %c0_i32 : i32, i32
  }
  func.func @transform_1(%arg0: i32) -> (i32, i32) {
    %c0_i32 = arith.constant 0 : i32
    %c0_i32_0 = arith.constant 0 : i32
    return %arg0, %c0_i32 : i32, i32
  }
  func.func @transform_2(%arg0: i32) -> (i32, i32) {
    %c0_i32 = arith.constant 0 : i32
    %c0_i32_0 = arith.constant 0 : i32
    %c0_i32_1 = arith.constant 0 : i32
    return %c0_i32, %c0_i32_0 : i32, i32
  }
  func.func @transform_3(%arg0: i32) -> (i32, i32) {
    %c0_i32 = arith.constant 0 : i32
    %c0_i32_0 = arith.constant 0 : i32
    %c0_i32_1 = arith.constant 0 : i32
    return %c0_i32, %c0_i32_0 : i32, i32
  }
  func.func @transform_4(%arg0: i32) -> (i32, i32) {
    %c0_i32 = arith.constant 0 : i32
    %c0_i32_0 = arith.constant 0 : i32
    return %arg0, %c0_i32 : i32, i32
  }
  func.func @transform_5(%arg0: i32) -> (i32, i32) {
    %c0_i32 = arith.constant 0 : i32
    %c0_i32_0 = arith.constant 0 : i32
    %c0_i32_1 = arith.constant 0 : i32
    return %c0_i32, %c0_i32_0 : i32, i32
  }
  func.func @transform_6(%arg0: i32) -> (i32, i32) {
    %c0_i32 = arith.constant 0 : i32
    %c0_i32_0 = arith.constant 0 : i32
    %c0_i32_1 = arith.constant 0 : i32
    return %c0_i32, %c0_i32_0 : i32, i32
  }
  func.func @transform_7(%arg0: i32) -> (i32, i32) {
    %c0_i32 = arith.constant 0 : i32
    %c0_i32_0 = arith.constant 0 : i32
    %c0_i32_1 = arith.constant 0 : i32
    return %c0_i32, %c0_i32_0 : i32, i32
  }
}

module attributes {stable_mosaic.version = 14 : i64} {
  func.func @_zst_body(%arg0: i32, %arg1: memref<512x256xf32, #tpu.memory_space<vmem>>, %arg2: memref<512x256xf32, #tpu.memory_space<vmem>>, %arg3: memref<512x256xf32, #tpu.memory_space<vmem>>) attributes {dimension_semantics = [#tpu.dimension_semantics<arbitrary>], iteration_bounds = array<i64: 36>, scalar_prefetch = 0 : i64, scratch_operands = 0 : i64, tpu.core_type = #tpu.core_type<tc>, window_params = [{transform_indices = @transform_0, window_bounds = array<i64: 512, 256>}, {transform_indices = @transform_1, window_bounds = array<i64: 512, 256>}, {transform_indices = @transform_2, window_bounds = array<i64: 512, 256>}]} {
    %get3A = arith.constant 0 : index
    %get3A_0 = arith.constant 0 : index
    %get3A_1 = vector.load %arg1[%get3A, %get3A_0] : memref<512x256xf32, #tpu.memory_space<vmem>>, vector<512x256xf32>
    %get3A_2 = arith.constant 0 : index
    %get3A_3 = arith.constant 0 : index
    %get3A_4 = vector.load %arg2[%get3A_2, %get3A_3] : memref<512x256xf32, #tpu.memory_space<vmem>>, vector<512x256xf32>
    %sub3A = arith.subf %get3A_4, %get3A_1 : vector<512x256xf32>
    %add3A = arith.addf %get3A_1, %sub3A : vector<512x256xf32>
    %swap3A = arith.constant 0 : index
    %swap3A_5 = arith.constant 0 : index
    %swap3A_6 = vector.load %arg3[%swap3A, %swap3A_5] : memref<512x256xf32, #tpu.memory_space<vmem>>, vector<512x256xf32>
    tpu.vector_store %arg3[%swap3A, %swap3A_5], %add3A {strides = array<i32>} : memref<512x256xf32, #tpu.memory_space<vmem>>, vector<512x256xf32>,
    return
  }
  func.func @transform_0(%arg0: i32) -> (i32, i32) {
    %c0_i32 = arith.constant 0 : i32
    %c0_i32_0 = arith.constant 0 : i32
    return %arg0, %c0_i32 : i32, i32
  }
  func.func @transform_1(%arg0: i32) -> (i32, i32) {
    %c0_i32 = arith.constant 0 : i32
    %c0_i32_0 = arith.constant 0 : i32
    return %arg0, %c0_i32 : i32, i32
  }
  func.func @transform_2(%arg0: i32) -> (i32, i32) {
    %c0_i32 = arith.constant 0 : i32
    %c0_i32_0 = arith.constant 0 : i32
    return %arg0, %c0_i32 : i32, i32
  }
}

</mosaic_0001>

<sc_bundles>
// kernel: kernel.5.cloned.1.call-start
scs
__scs_entry_jumppad:
0x0: {  	(pc) =	sbr.rel $0x88, $3  }
0x1: {  	(tag) =	ssettag $0x0;
	lr =	simm.s32 $0x1  }
0x2: {  	[smem:$0x3F9F] =	sst lr;
	_ =	strace $0xD0000000  }
0x3: {  	_ = 	snop  }
0x4: {  	_ = 	snop  }
0x5: {  	_ = 	snop  }
0x6: {  	_ = 	snop  }
0x7: {  	_ = 	snop  }
__scs_overlays_trampoline_lowered:
0x8: {  	[smem:$0x3FAE] =	sst s0  }
0x9: {  	[smem:$0x3FAF] =	sst s1  }
0xa: {  	[smem:$0x3FB0] =	sst s2  }
0xb: {  	[smem:$0x3FB1] =	sst s3  }
0xc: {  	[smem:$0x3FB2] =	sst s4  }
0xd: {  	[smem:$0x3FB3] =	sst s5  }
0xe: {  	[smem:$0x3FB4] =	sst s6  }
0xf: {  	[smem:$0x3FB5] =	sst s7  }
0x10: {  	[smem:$0x3FB6] =	sst s8  }
0x11: {  	[smem:$0x3FB7] =	sst s9;
	s0 =	simm.s32 @!p0 $0x0  }
0x12: {  	s1 =	sld [smem:$0x3F9D];
	s0 =	simm.s32 @p0 $0x1  }
0x13: {  	[smem:$0x3FB8] =	sst s0;
	s0 =	simm.s32 @!p1 $0x0  }
0x14: {  	s2 =	sld [smem:$0x3F9C];
	s0 =	simm.s32 @p1 $0x1  }
0x15: {  	[smem:$0x3FB9] =	sst s0;
	s0 =	simm.s32 @!p2 $0x0  }
0x16: {  	s3 =	sld [smem:$0x3FDB];
	s0 =	simm.s32 @p2 $0x1  }
0x17: {  	s4 =	simm.s32 $0x1BF5;
	[smem:$0x3FBB] =	sst s0  }
0x18: {  	s0 =	sld [smem:$0x3F9E];
	_ =	swait.ge [sflag:s4], $0x0  }
0x19: {  	s7 =	sld [smem:$0x3F9F]  }
0x1a: {  	s8 =	sadd.s32 $0xFFFFE003, lr  }
0x1b: {  	s9 =	sadd.s32 $0xFFFFFEF7, lr;
	s5 =	simm.s32 $0xFFFFFFFF;
	p2 =	slt.u32 s8, $0xFFFFF086  }
0x1c: {  	p1 =	slt.u32 s9, $0xF7A;
	s5 =	simm.s32 @!p2 $0x0  }
0x1d: {  	s5 =	simm.s32 @p1 $0x1;
	p0 =	seq.s32 s7, s2  }
0x1e: {  	s7 =	smul.u32 @!p0 $0xF7A, s2;
	p2 =	seq.s32 @!p0 s5, $0x0  }
0x1f: {  	s9 =	smul.u32 $0xF7A, s1;
	s8 =	simm.s32 @!p0 $0x1BF5;
	p2 =	por !p2, p0  }
0x20: {  	[sflag:s8] =	ssyncset.s32 @!p0 $0xFFFFF086;
	s6 =	sadd.s32 @!p0 s3, s7;
	s7 =	simm.s32 @!p0 $0x108  }
0x21: {  	s3 =	sadd.s32 s3, s9;
	s6 =	sadd.s32 @!p0 $0x88, s6;
	s7 =	simm.s32 @p2 $0x1082  }
0x22: {  	[simem:s7], [sflag:s8] =	dma.local @!p0 [hbm:s6], $0xF7A  }
0x23: {  	s9 =	sor.u32 $0xD0000000, s2;
	s6 =	simm.s32 $0x108;
	_ =	swait.ge @!p0 [sflag:s8], $0x0  }
0x24: {  	s3 =	sadd.s32 $0x88, s3;
	s6 =	simm.s32 @!p1 $0x1082;
	[sflag:s4] =	ssyncset.s32 $0xFFFFF086  }
0x25: {  	[simem:s6], [sflag:s4] =	dma.local [hbm:s3], $0xF7A  }
0x26: {  	[smem:$0x3F9F] =	sst s1;
	(tag) =	ssettag s2;
	_ =	strace s9  }
0x27: {  	s1 =	sld [smem:$0x3FAF]  }
0x28: {  	s2 =	sld [smem:$0x3FB0]  }
0x29: {  	s4 =	sld [smem:$0x3FB2]  }
0x2a: {  	p0 =	seq.s32 s5, $0x0;
	s5 =	sld [smem:$0x3FB3]  }
0x2b: {  	s6 =	sld [smem:$0x3FB4]  }
0x2c: {  	s7 =	sld [smem:$0x3FB5]  }
0x2d: {  	s3 =	simm.s32 $0x108;
	s8 =	sld [smem:$0x3FB6]  }
0x2e: {  	s3 =	simm.s32 @!p0 $0x1082;
	s9 =	sld [smem:$0x3FB7]  }
0x2f: {  	lr =	sadd.s32 s0, s3;
	s0 =	sld [smem:$0x3FAE]  }
0x30: {  	s3 =	sld [smem:$0x3FB1]  }
0x31: {  	[smem:$0x3FBA] =	sst s10  }
0x32: {  	s10 =	sld [smem:$0x3FB8];
	_ =	sdelay $0x3  }
0x33: {  	p0 =	seq.s32 s10, $0x1;
	s10 =	sld [smem:$0x3FBA];
	_ =	sdelay $0x3  }
0x34: {  	[smem:$0x3FBA] =	sst s10  }
0x35: {  	s10 =	sld [smem:$0x3FB9];
	_ =	sdelay $0x3  }
0x36: {  	p1 =	seq.s32 s10, $0x1;
	s10 =	sld [smem:$0x3FBA];
	_ =	sdelay $0x3  }
0x37: {  	[smem:$0x3FBA] =	sst s10  }
0x38: {  	s10 =	sld [smem:$0x3FBB]  }
0x39: {  	_ = 	snop;
	(pc) =	sbr.ind lr, $3  }
0x3a: {  	_ = 	snop  }
0x3b: {  	_ = 	snop  }
0x3c: {  	p2 =	seq.s32 s10, $0x1;
	s10 =	sld [smem:$0x3FBA]  }
0x3d: {  	_ =	shalt  }
0x3e: {  	_ =	shalt  }
0x3f: {  	_ =	shalt  }
0x40: {  	_ =	shalt  }
0x41: {  	_ =	shalt  }
0x42: {  	_ =	shalt  }
0x43: {  	_ =	shalt  }
0x44: {  	_ =	shalt  }
0x45: {  	_ =	shalt  }
0x46: {  	_ =	shalt  }
0x47: {  	_ =	shalt  }
0x48: {  	_ =	shalt  }
0x49: {  	_ =	shalt  }
0x4a: {  	_ =	shalt  }
0x4b: {  	_ =	shalt  }
0x4c: {  	_ =	shalt  }
0x4d: {  	_ =	shalt  }
0x4e: {  	_ =	shalt  }
0x4f: {  	_ =	shalt  }
0x50: {  	_ =	shalt  }
0x51: {  	_ =	shalt  }
0x52: {  	_ =	shalt  }
0x53: {  	_ =	shalt  }
0x54: {  	_ =	shalt  }
0x55: {  	_ =	shalt  }
0x56: {  	_ =	shalt  }
0x57: {  	_ =	shalt  }
0x58: {  	_ =	shalt  }
0x59: {  	_ =	shalt  }
0x5a: {  	_ =	shalt  }
0x5b: {  	_ =	shalt  }
0x5c: {  	_ =	shalt  }
0x5d: {  	_ =	shalt  }
0x5e: {  	_ =	shalt  }
0x5f: {  	_ =	shalt  }
0x60: {  	_ =	shalt  }
0x61: {  	_ =	shalt  }
0x62: {  	_ =	shalt  }
0x63: {  	_ =	shalt  }
0x64: {  	_ =	shalt  }
0x65: {  	_ =	shalt  }
0x66: {  	_ =	shalt  }
0x67: {  	_ =	shalt  }
0x68: {  	_ =	shalt  }
0x69: {  	_ =	shalt  }
0x6a: {  	_ =	shalt  }
0x6b: {  	_ =	shalt  }
0x6c: {  	_ =	shalt  }
0x6d: {  	_ =	shalt  }
0x6e: {  	_ =	shalt  }
0x6f: {  	_ =	shalt  }
0x70: {  	_ =	shalt  }
0x71: {  	_ =	shalt  }
0x72: {  	_ =	shalt  }
0x73: {  	_ =	shalt  }
0x74: {  	_ =	shalt  }
0x75: {  	_ =	shalt  }
0x76: {  	_ =	shalt  }
0x77: {  	_ =	shalt  }
0x78: {  	_ =	shalt  }
0x79: {  	_ =	shalt  }
0x7a: {  	_ =	shalt  }
0x7b: {  	_ =	shalt  }
0x7c: {  	_ =	shalt  }
0x7d: {  	_ =	shalt  }
0x7e: {  	_ =	shalt  }
0x7f: {  	_ =	shalt  }
0x80: {  	_ =	shalt  }
0x81: {  	_ =	shalt  }
0x82: {  	_ =	shalt  }
0x83: {  	_ =	shalt  }
0x84: {  	_ =	shalt  }
0x85: {  	_ =	shalt  }
0x86: {  	_ =	shalt  }
0x87: {  	_ =	shalt  }
.Lfunc_end0:
.L_simem_size_0:
called_computation_lowered:
.L_overlay_start_0:
0x88: {  	s2 =	sld [smem:$0x3FD9]  }
0x89: {  	s3 =	sld [smem:$0x3FFE];
	_ =	sdelay $0x1  }
0x8a: {  	s1 =	srdreg.scid  }
0x8b: {  	s0 =	sand.u32 $0x1, s1  }
0x8c: {  	s14 =	sshll.u32 s0, $0xA;
	s2 =	sadd.s32 s3, s2  }
0x8d: {  	s2 =	sadd.s32 s2, s14  }
0x8e: {  	[smem:$0x3FC6] =	sst s2  }
0x8f: {  	_ = 	snop  }
0x90: {  	s2 =	sld [smem:$0x3FD0];
	_ =	sdelay $0x2  }
0x91: {  	s4 =	simm.s32 $0xA;
	s5 =	simm.s32 $0x10;
	s15 =	sld [smem:$0x3FC8]  }
0x92: {  	[smem:s5], [sflag:s4] =	dma.local [hbm:s2], $0x1  }
0x93: {  	_ =	swait.eq [sflag:s4], $0x1  }
0x94: {  	[sflag:s4] =	ssyncset.done $0x0  }
0x95: {  	[sflag:s4] =	ssyncadd.s32 $0xFFFFFFFF  }
0x96: {  	s16 =	sld [smem:$0x11];
	(tm) =	ssettm $0x1  }
0x97: {  	s17 =	sld [smem:$0x3FFB];
	_ =	sdelay $0x3  }
0x98: {  	_ =	strace s17  }
0x99: {  	s4 =	sld [smem:$0x3FFC];
	_ =	sdelay $0x3  }
0x9a: {  	_ =	strace s4  }
0x9b: {  	s4 =	sld [smem:$0x3FFD];
	_ =	sdelay $0x3  }
0x9c: {  	_ =	strace s4  }
0x9d: {  	_ =	strace $0x8FFFFFFF  }
0x9e: {  	s18 =	sld [smem:$0x3FDB];
	_ =	sdelay $0x1  }
0x9f: {  	s19 =	simm.s32 $_scs_section_size  }
0xa0: {  	s6 =	simm.s32 $_size__tile_overlayer_lowered;
	s7 =	simm.s32 $_tile_overlayer_lowered  }
0xa1: {  	s22 =	simm.s32 $0x1BFF;
	s21 =	sshll.u32 s7, $0x1;
	s4 =	sadd.s32 s19, s18  }
0xa2: {  	s8 =	simm.s32 $0x0;
	s20 =	sshll.u32 s6, $0x1;
	s6 =	sadd.s32 s21, s4  }
0xa3: {  	[timem:s8], [sflag:s22] =	dma.local [hbm:s6], s20  }
0xa4: {  	_ =	swait.ge [sflag:s22], s20  }
0xa5: {  	s5 =	ssub.s32 $0x0, s20;
	[sflag:s22] =	ssyncset.done $0x0  }
0xa6: {  	[sflag:s22] =	ssyncadd.s32 s5;
	_ =	sdelay $0x1  }
0xa7: {  	s23 =	simm.s32 $0x1B8B  }
0xa8: {  	_ =	swait.ge [sflag:s23], $0x1  }
0xa9: {  	[sflag:s23] =	ssyncset.done $0x0  }
0xaa: {  	s25 =	simm.s32 $0x1B8E;
	s24 =	sld [smem:$0x3FFE];
	[sflag:s23] =	ssyncadd.s32 $0xFFFFFFFF  }
0xab: {  	s26 =	simm.s32 $execute0_lowered;
	[smem:$0x3FD2] =	sst s25  }
0xac: {  	s6 =	sshll.u32 s26, $0x1;
	_ =	strace $0x80000046;
	[dreg:$0x1] =	wrdreg $0xFFFFFFFF  }
0xad: {  	s28 =	simm.s32 $_size_execute0_lowered;
	s4 =	sadd.s32 s4, s6;
	[dreg:$0x0] =	wrdreg $0x0  }
0xae: {  	s6 =	sshll.u32 s28, $0x1;
	[dreg:$0x2] =	wrdreg s4  }
0xaf: {  	[dreg:$0x3] =	wrdreg s6  }
0xb0: {  	[dreg:$0x4] =	wrdreg $0xC0  }
0xb1: {  	_ =	task [dreg:s8], $0x5FFFF  }
0xb2: {  	[dreg:$0x1] =	wrdreg $0xFFFFFFFF  }
0xb3: {  	[dreg:$0x0] =	wrdreg $0x60  }
0xb4: {  	[dreg:$0x2] =	wrdreg s15  }
0xb5: {  	[dreg:$0x3] =	wrdreg s16  }
0xb6: {  	[dreg:$0x4] =	wrdreg s24  }
0xb7: {  	[dreg:$0x5] =	wrdreg $0x9  }
0xb8: {  	_ =	task.clear_ibuf [dreg:s8], $0x6FFFF;
	_ =	strace $0x90000046  }
0xb9: {  	s29 =	simm.s32 $0x9;
	_ =	strace $0x80000048  }
0xba: {  	_ =	swait.ge [sflag:s29], $0x1  }
0xbb: {  	[sflag:s29] =	ssyncadd.s32 $0xFFFFFFFF  }
0xbc: {  	_ =	strace $0x90000048  }
0xbd: {  	_ =	sfence  }
0xbe: {  	s30 =	sld [smem:$0x0];
	_ =	sdelay $0x2  }
0xbf: {  	s31 =	sshll.u32 s1, $0xD;
	s1 =	sshrl.u32 s1, $0x2  }
0xc0: {  	s3 =	sand.u32 $0x4000, s31;
	s1 =	sadd.s32 s1, s30  }
0xc1: {  	s0 =	sor.u32 s3, s0;
	s1 =	sshll.u32 s1, $0x11  }
0xc2: {  	s0 =	sor.u32 s1, s0  }
0xc3: {  	s0 =	sadd.s32 $0x8F2B, s0  }
0xc4: {  	[sflag:s0] =	ssyncadd.remote.s32 $0x1  }
0xc5: {  	_ =	sfence.sel $0xFFFF  }
0xc6: {  	[dreg:$0x0] =	wrdreg $0xFFFFFFFF;
	(pc) =	sbr.abs _section_cstart, $3  }
0xc7: {  	[dreg:$0x1] =	wrdreg $0xFFFFFFFF  }
0xc8: {  	_ =	task.clear_ibuf [dreg:s8], $0x2FFFF;
	_ =	strace $0x9FFFFFFF  }
0xc9: {  	(tm) =	ssettm $0x7FFFFFFF  }
tec
execute0_lowered:
.L_overlay_start_1:
0x0: {  	(tag) =	ssettag $0x1  }
0x1: {  	s1 =	rddreg [dreg:$0x0]  }
0x2: {  	s0 =	srdreg.scid;
	s3 =	stileid.u32  }
0x3: {  	s2 =	rddreg [dreg:$0x1];
	s0 =	sand.u32 $0x1, s0;
	s3 =	sshll.u32 s3, $0x1  }
0x4: {  	s4 =	rddreg [dreg:$0x2];
	s5 =	sor.u32 s0, s3;
	s3 =	simm.s32 $0x0  }
0x5: {  	s25 =	simm.s32 $0xCA80;
	[smem:$0x7FF] =	sst s3  }
0x6: {  	s8 =	simm.s32 $0xEA80;
	_ =	strace $0x80000047;
	[dreg:$0x8] =	wrdreg s25  }
0x7: {  	s9 =	simm.s32 $0xF280;
	[dreg:$0xc] =	wrdreg s8  }
0x8: {  	s10 =	simm.s32 $0xFA80;
	[dreg:$0xd] =	wrdreg s9  }
0x9: {  	s11 =	simm.s32 $0x10280;
	[dreg:$0xe] =	wrdreg s10  }
0xa: {  	s12 =	simm.s32 $0x10A80;
	s13 =	simm.s32 $0x11280;
	[dreg:$0xf] =	wrdreg s11  }
0xb: {  	s14 =	simm.s32 $0x11A80;
	s15 =	simm.s32 $0x12280;
	[dreg:$0x10] =	wrdreg s12  }
0xc: {  	s16 =	simm.s32 $0x12A80;
	s17 =	simm.s32 $0x13280;
	[dreg:$0x11] =	wrdreg s13  }
0xd: {  	s18 =	simm.s32 $0x13A80;
	s19 =	simm.s32 $0x14280;
	[dreg:$0x12] =	wrdreg s14  }
0xe: {  	s20 =	simm.s32 $0x14A80;
	s28 =	simm.s32 $0x8A80;
	[dreg:$0x13] =	wrdreg s15  }
0xf: {  	s29 =	simm.s32 $0x9280;
	s30 =	simm.s32 $0x9A80;
	[dreg:$0x14] =	wrdreg s16  }
0x10: {  	s31 =	simm.s32 $0xA280;
	s4 =	sadd.s32 $0xC00, s4;
	[dreg:$0x15] =	wrdreg s17  }
0x11: {  	s0 =	ssub.s32 $0x2, s0;
	s6 =	smul.u32 $0x48, s5;
	[dreg:$0x16] =	wrdreg s18  }
0x12: {  	s7 =	smul.u32 $0x24000, s5;
	s26 =	sshrl.u32 s0, $0x1;
	[dreg:$0x17] =	wrdreg s19  }
0x13: {  	s5 =	smul.u32 $0x4800, s5;
	s0 =	ssub.s32 s0, s26;
	[dreg:$0x18] =	wrdreg s20  }
0x14: {  	s25 =	simm.s32 $0x17280;
	s26 =	simm.s32 $0x17A80;
	s11 =	simm.s32 $0xA80  }
0x15: {  	s12 =	simm.s32 $0x1280;
	s13 =	simm.s32 $0x1A80;
	s14 =	simm.s32 $0x2280  }
0x16: {  	s15 =	simm.s32 $0x2A80;
	s16 =	simm.s32 $0x3280;
	s17 =	simm.s32 $0x3A80  }
0x17: {  	s18 =	simm.s32 $0x4280;
	s19 =	simm.s32 $0x4A80;
	[dreg:$0x1d] =	wrdreg s25  }
0x18: {  	s20 =	simm.s32 $0x5280;
	s2 =	sadd.s32 s2, s6;
	[dreg:$0x1e] =	wrdreg s26  }
0x19: {  	s8 =	simm.s32 $0xBA80;
	s22 =	sadd.s32 s4, s5;
	[dreg:$0x4] =	wrdreg s2  }
0x1a: {  	s21 =	sshrl.u32 s7, $0x3;
	s5 =	simm.s32 $0xD280;
	[dreg:$0x5] =	wrdreg s22  }
0x1b: {  	s6 =	simm.s32 $0xDA80;
	s7 =	simm.s32 $0xE280;
	[dreg:$0x9] =	wrdreg s5  }
0x1c: {  	s25 =	simm.s32 $0x7A80;
	s26 =	simm.s32 $0x8280;
	[dreg:$0xa] =	wrdreg s6  }
0x1d: {  	s4 =	sadd.s32 s4, s21;
	[dreg:$0xb] =	wrdreg s7;
	s21 =	simm.s32 $0x15280  }
0x1e: {  	s22 =	simm.s32 $0x15A80;
	s2 =	simm.s32 $0x1;
	[dreg:$0x19] =	wrdreg s21  }
0x1f: {  	s23 =	sadd.s32 $0x1800, s4;
	s24 =	sadd.s32 $0x3000, s4;
	[dreg:$0x1a] =	wrdreg s22  }
0x20: {  	s4 =	smax.u32 s0, $0x1;
	s0 =	simm.s32 $0x3;
	[dreg:$0x6] =	wrdreg s23  }
0x21: {  	v2 =	vlaneseq.u32;
	s21 =	simm.s32 $0x5A80;
	[dreg:$0x7] =	wrdreg s24;
	s23 =	simm.s32 $0x16280  }
0x22: {  	vm0 =	vmmov $0xffff;
	v1 =	vshrl.u32 v2, $0x3;
	s22 =	simm.s32 $0x6280;
	s24 =	simm.s32 $0x16A80;
	[dreg:$0x1b] =	wrdreg s23  }
0x23: {  	v0 =	vand.u32 $0x7, v2;
	v2 =	vor.u32 $0x8, v2;
	v1 =	vmul.u32 $0x8, v1;
	[dreg:$0x1c] =	wrdreg s24;
	s23 =	simm.s32 $0x6A80;
	s24 =	simm.s32 $0x7280  }
.LBB2_1:
0x24: {  	s9 =	rddreg [dreg:$0x4];
	s5 =	simm.s32 $0x5  }
0x25: {  	[tilespmem:s3], [sflag:$0x5] =	stream.linear.gather [hbm4b:s9+s3], $0x240, $0x38;
	[tilespmem:$0x18280] =	vst v63  }
0x26: {  	_ =	swait.ge [sflag:s5], $0x240  }
0x27: {  	[sflag:s5] =	ssyncset.done $0x0  }
0x28: {  	[sflag:s5] =	ssyncadd.s32 $0xFFFFFDC0  }
0x29: {  	v3 =	vld [tilespmem:$0x0];
	_ =	sdelay $0x4  }
0x2a: {  	v4 =	vshll.u32 v3, $0x1  }
0x2b: {  	v3 =	vand.u32 $0x7, v3;
	v4 =	vand.u32 $0xFFFFFFF0, v4  }
0x2c: {  	v3 =	vor.u32 v3, v4  }
0x2d: {  	v4 =	vperm.xlane v3, v0;
	_ =	sdelay $0x1  }
0x2e: {  	v3 =	vperm.xlane v3, v2;
	v4 =	vadd.s32 v1, v4;
	_ =	sdelay $0x1  }
0x2f: {  	v3 =	vadd.s32 v1, v3;
	_ =	sdelay $0x1  }
0x30: {  	s5 =	simm.s32 $0x280  }
0x31: {  	[tilespmem:s5], [sflag:$0x1] =	stream.indirect_vreg.gather [hbm4b:s1+s3], $0x80, v4, vm0, $0xb8;
	[tilespmem:$0x18280] =	vst v63  }
0x32: {  	_ = 	snop  }
0x33: {  	[tilespmem:s11], [sflag:$0x1] =	stream.indirect_vreg.gather [hbm4b:s1+s3], $0x80, v3, vm0, $0xb8;
	[tilespmem:$0x18280] =	vst v63  }
0x34: {  	v3 =	vld [tilespmem:$0x10];
	_ =	sdelay $0x4  }
0x35: {  	v29 =	vshll.u32 v3, $0x1  }
0x36: {  	v3 =	vand.u32 $0x7, v3;
	v4 =	vand.u32 $0xFFFFFFF0, v29  }
0x37: {  	v3 =	vor.u32 v3, v4  }
0x38: {  	v4 =	vperm.xlane v3, v0;
	_ =	sdelay $0x1  }
0x39: {  	v3 =	vperm.xlane v3, v2;
	v4 =	vadd.s32 v1, v4;
	_ =	sdelay $0x1  }
0x3a: {  	v3 =	vadd.s32 v1, v3;
	_ =	sdelay $0x2  }
0x3b: {  	[tilespmem:s12], [sflag:$0x1] =	stream.indirect_vreg.gather [hbm4b:s1+s3], $0x80, v4, vm0, $0xb8;
	[tilespmem:$0x18280] =	vst v63  }
0x3c: {  	_ = 	snop  }
0x3d: {  	[tilespmem:s13], [sflag:$0x1] =	stream.indirect_vreg.gather [hbm4b:s1+s3], $0x80, v3, vm0, $0xb8;
	[tilespmem:$0x18280] =	vst v63  }
0x3e: {  	v3 =	vld [tilespmem:$0x20];
	_ =	sdelay $0x4  }
0x3f: {  	v30 =	vshll.u32 v3, $0x1  }
0x40: {  	v3 =	vand.u32 $0x7, v3;
	v4 =	vand.u32 $0xFFFFFFF0, v30  }
0x41: {  	v3 =	vor.u32 v3, v4  }
0x42: {  	v4 =	vperm.xlane v3, v0;
	_ =	sdelay $0x1  }
0x43: {  	v3 =	vperm.xlane v3, v2;
	v4 =	vadd.s32 v1, v4;
	_ =	sdelay $0x1  }
0x44: {  	v3 =	vadd.s32 v1, v3;
	_ =	sdelay $0x2  }
0x45: {  	[tilespmem:s14], [sflag:$0x1] =	stream.indirect_vreg.gather [hbm4b:s1+s3], $0x80, v4, vm0, $0xb8;
	[tilespmem:$0x18280] =	vst v63  }
0x46: {  	_ = 	snop  }
0x47: {  	[tilespmem:s15], [sflag:$0x1] =	stream.indirect_vreg.gather [hbm4b:s1+s3], $0x80, v3, vm0, $0xb8;
	[tilespmem:$0x18280] =	vst v63  }
0x48: {  	v3 =	vld [tilespmem:$0x30];
	_ =	sdelay $0x4  }
0x49: {  	v31 =	vshll.u32 v3, $0x1  }
0x4a: {  	v3 =	vand.u32 $0x7, v3;
	v4 =	vand.u32 $0xFFFFFFF0, v31  }
0x4b: {  	v3 =	vor.u32 v3, v4  }
0x4c: {  	v4 =	vperm.xlane v3, v0;
	_ =	sdelay $0x1  }
0x4d: {  	v3 =	vperm.xlane v3, v2;
	v4 =	vadd.s32 v1, v4;
	_ =	sdelay $0x1  }
0x4e: {  	v3 =	vadd.s32 v1, v3;
	_ =	sdelay $0x2  }
0x4f: {  	[tilespmem:s16], [sflag:$0x1] =	stream.indirect_vreg.gather [hbm4b:s1+s3], $0x80, v4, vm0, $0xb8;
	[tilespmem:$0x18280] =	vst v63  }
0x50: {  	_ = 	snop  }
0x51: {  	[tilespmem:s17], [sflag:$0x1] =	stream.indirect_vreg.gather [hbm4b:s1+s3], $0x80, v3, vm0, $0xb8;
	[tilespmem:$0x18280] =	vst v63  }
0x52: {  	v3 =	vld [tilespmem:$0x40];
	_ =	sdelay $0x4  }
0x53: {  	v32 =	vshll.u32 v3, $0x1  }
0x54: {  	v3 =	vand.u32 $0x7, v3;
	v4 =	vand.u32 $0xFFFFFFF0, v32  }
0x55: {  	v3 =	vor.u32 v3, v4  }
0x56: {  	v4 =	vperm.xlane v3, v0;
	_ =	sdelay $0x1  }
0x57: {  	v3 =	vperm.xlane v3, v2;
	v4 =	vadd.s32 v1, v4;
	_ =	sdelay $0x1  }
0x58: {  	v3 =	vadd.s32 v1, v3;
	_ =	sdelay $0x2  }
0x59: {  	[tilespmem:s18], [sflag:$0x1] =	stream.indirect_vreg.gather [hbm4b:s1+s3], $0x80, v4, vm0, $0xb8;
	[tilespmem:$0x18280] =	vst v63  }
0x5a: {  	_ = 	snop  }
0x5b: {  	[tilespmem:s19], [sflag:$0x1] =	stream.indirect_vreg.gather [hbm4b:s1+s3], $0x80, v3, vm0, $0xb8;
	[tilespmem:$0x18280] =	vst v63  }
0x5c: {  	v3 =	vld [tilespmem:$0x50];
	_ =	sdelay $0x4  }
0x5d: {  	v33 =	vshll.u32 v3, $0x1  }
0x5e: {  	v3 =	vand.u32 $0x7, v3;
	v4 =	vand.u32 $0xFFFFFFF0, v33  }
0x5f: {  	v3 =	vor.u32 v3, v4  }
0x60: {  	v4 =	vperm.xlane v3, v0;
	_ =	sdelay $0x1  }
0x61: {  	v3 =	vperm.xlane v3, v2;
	v4 =	vadd.s32 v1, v4;
	_ =	sdelay $0x1  }
0x62: {  	v3 =	vadd.s32 v1, v3;
	_ =	sdelay $0x2  }
0x63: {  	[tilespmem:s20], [sflag:$0x1] =	stream.indirect_vreg.gather [hbm4b:s1+s3], $0x80, v4, vm0, $0xb8;
	[tilespmem:$0x18280] =	vst v63  }
0x64: {  	_ = 	snop  }
0x65: {  	[tilespmem:s21], [sflag:$0x1] =	stream.indirect_vreg.gather [hbm4b:s1+s3], $0x80, v3, vm0, $0xb8;
	[tilespmem:$0x18280] =	vst v63  }
0x66: {  	v3 =	vld [tilespmem:$0x60];
	_ =	sdelay $0x4  }
0x67: {  	v34 =	vshll.u32 v3, $0x1  }
0x68: {  	v3 =	vand.u32 $0x7, v3;
	v4 =	vand.u32 $0xFFFFFFF0, v34  }
0x69: {  	v3 =	vor.u32 v3, v4  }
0x6a: {  	v4 =	vperm.xlane v3, v0;
	_ =	sdelay $0x1  }
0x6b: {  	v3 =	vperm.xlane v3, v2;
	v4 =	vadd.s32 v1, v4;
	_ =	sdelay $0x1  }
0x6c: {  	v3 =	vadd.s32 v1, v3;
	_ =	sdelay $0x2  }
0x6d: {  	[tilespmem:s22], [sflag:$0x1] =	stream.indirect_vreg.gather [hbm4b:s1+s3], $0x80, v4, vm0, $0xb8;
	[tilespmem:$0x18280] =	vst v63  }
0x6e: {  	_ = 	snop  }
0x6f: {  	[tilespmem:s23], [sflag:$0x1] =	stream.indirect_vreg.gather [hbm4b:s1+s3], $0x80, v3, vm0, $0xb8;
	[tilespmem:$0x18280] =	vst v63  }
0x70: {  	v3 =	vld [tilespmem:$0x70];
	_ =	sdelay $0x4  }
0x71: {  	v35 =	vshll.u32 v3, $0x1  }
0x72: {  	v3 =	vand.u32 $0x7, v3;
	v4 =	vand.u32 $0xFFFFFFF0, v35  }
0x73: {  	v3 =	vor.u32 v3, v4  }
0x74: {  	v4 =	vperm.xlane v3, v0;
	_ =	sdelay $0x1  }
0x75: {  	v3 =	vperm.xlane v3, v2;
	v4 =	vadd.s32 v1, v4;
	_ =	sdelay $0x1  }
0x76: {  	v3 =	vadd.s32 v1, v3;
	_ =	sdelay $0x2  }
0x77: {  	[tilespmem:s24], [sflag:$0x1] =	stream.indirect_vreg.gather [hbm4b:s1+s3], $0x80, v4, vm0, $0xb8;
	[tilespmem:$0x18280] =	vst v63  }
0x78: {  	_ = 	snop  }
0x79: {  	[tilespmem:s25], [sflag:$0x1] =	stream.indirect_vreg.gather [hbm4b:s1+s3], $0x80, v3, vm0, $0xb8;
	[tilespmem:$0x18280] =	vst v63  }
0x7a: {  	v3 =	vld [tilespmem:$0x80];
	_ =	sdelay $0x4  }
0x7b: {  	v36 =	vshll.u32 v3, $0x1  }
0x7c: {  	v3 =	vand.u32 $0x7, v3;
	v4 =	vand.u32 $0xFFFFFFF0, v36  }
0x7d: {  	v3 =	vor.u32 v3, v4  }
0x7e: {  	v4 =	vperm.xlane v3, v0;
	_ =	sdelay $0x1  }
0x7f: {  	v3 =	vperm.xlane v3, v2;
	v4 =	vadd.s32 v1, v4;
	_ =	sdelay $0x1  }
0x80: {  	v3 =	vadd.s32 v1, v3;
	_ =	sdelay $0x2  }
0x81: {  	[tilespmem:s26], [sflag:$0x1] =	stream.indirect_vreg.gather [hbm4b:s1+s3], $0x80, v4, vm0, $0xb8;
	[tilespmem:$0x18280] =	vst v63  }
0x82: {  	_ = 	snop  }
0x83: {  	[tilespmem:s28], [sflag:$0x1] =	stream.indirect_vreg.gather [hbm4b:s1+s3], $0x80, v3, vm0, $0xb8;
	[tilespmem:$0x18280] =	vst v63  }
0x84: {  	v3 =	vld [tilespmem:$0x90];
	_ =	sdelay $0x4  }
0x85: {  	v37 =	vshll.u32 v3, $0x1  }
0x86: {  	v3 =	vand.u32 $0x7, v3;
	v4 =	vand.u32 $0xFFFFFFF0, v37  }
0x87: {  	v3 =	vor.u32 v3, v4  }
0x88: {  	v4 =	vperm.xlane v3, v0;
	_ =	sdelay $0x1  }
0x89: {  	v3 =	vperm.xlane v3, v2;
	v4 =	vadd.s32 v1, v4;
	_ =	sdelay $0x1  }
0x8a: {  	v3 =	vadd.s32 v1, v3;
	_ =	sdelay $0x2  }
0x8b: {  	[tilespmem:s29], [sflag:$0x1] =	stream.indirect_vreg.gather [hbm4b:s1+s3], $0x80, v4, vm0, $0xb8;
	[tilespmem:$0x18280] =	vst v63  }
0x8c: {  	_ = 	snop  }
0x8d: {  	[tilespmem:s30], [sflag:$0x1] =	stream.indirect_vreg.gather [hbm4b:s1+s3], $0x80, v3, vm0, $0xb8;
	[tilespmem:$0x18280] =	vst v63  }
0x8e: {  	v3 =	vld [tilespmem:$0xA0];
	_ =	sdelay $0x4  }
0x8f: {  	v38 =	vshll.u32 v3, $0x1  }
0x90: {  	v3 =	vand.u32 $0x7, v3;
	v4 =	vand.u32 $0xFFFFFFF0, v38  }
0x91: {  	v3 =	vor.u32 v3, v4  }
0x92: {  	v4 =	vperm.xlane v3, v0;
	_ =	sdelay $0x1  }
0x93: {  	v3 =	vperm.xlane v3, v2;
	v4 =	vadd.s32 v1, v4;
	_ =	sdelay $0x1  }
0x94: {  	v3 =	vadd.s32 v1, v3;
	_ =	sdelay $0x2  }
0x95: {  	[tilespmem:s31], [sflag:$0x1] =	stream.indirect_vreg.gather [hbm4b:s1+s3], $0x80, v4, vm0, $0xb8;
	[tilespmem:$0x18280] =	vst v63  }
0x96: {  	s6 =	simm.s32 $0xAA80  }
0x97: {  	[tilespmem:s6], [sflag:$0x1] =	stream.indirect_vreg.gather [hbm4b:s1+s3], $0x80, v3, vm0, $0xb8;
	[tilespmem:$0x18280] =	vst v63  }
0x98: {  	v3 =	vld [tilespmem:$0xB0];
	_ =	sdelay $0x4  }
0x99: {  	v39 =	vshll.u32 v3, $0x1  }
0x9a: {  	v3 =	vand.u32 $0x7, v3;
	v4 =	vand.u32 $0xFFFFFFF0, v39  }
0x9b: {  	v3 =	vor.u32 v3, v4  }
0x9c: {  	v4 =	vperm.xlane v3, v0;
	_ =	sdelay $0x1  }
0x9d: {  	v3 =	vperm.xlane v3, v2;
	v4 =	vadd.s32 v1, v4;
	_ =	sdelay $0x1  }
0x9e: {  	v3 =	vadd.s32 v1, v3;
	_ =	sdelay $0x1  }
0x9f: {  	s7 =	simm.s32 $0xB280  }
0xa0: {  	[tilespmem:s7], [sflag:$0x1] =	stream.indirect_vreg.gather [hbm4b:s1+s3], $0x80, v4, vm0, $0xb8;
	[tilespmem:$0x18280] =	vst v63  }
0xa1: {  	_ = 	snop  }
0xa2: {  	[tilespmem:s8], [sflag:$0x1] =	stream.indirect_vreg.gather [hbm4b:s1+s3], $0x80, v3, vm0, $0xb8;
	[tilespmem:$0x18280] =	vst v63  }
0xa3: {  	v3 =	vld [tilespmem:$0xC0];
	_ =	sdelay $0x4  }
0xa4: {  	v40 =	vshll.u32 v3, $0x1  }
0xa5: {  	v3 =	vand.u32 $0x7, v3;
	v4 =	vand.u32 $0xFFFFFFF0, v40  }
0xa6: {  	v3 =	vor.u32 v3, v4  }
0xa7: {  	v4 =	vperm.xlane v3, v0;
	_ =	sdelay $0x1  }
0xa8: {  	v3 =	vperm.xlane v3, v2;
	v4 =	vadd.s32 v1, v4;
	_ =	sdelay $0x1  }
0xa9: {  	v3 =	vadd.s32 v1, v3;
	_ =	sdelay $0x1  }
0xaa: {  	s6 =	simm.s32 $0xC280  }
0xab: {  	[tilespmem:s6], [sflag:$0x2] =	stream.indirect_vreg.gather [hbm4b:s1+s3], $0x80, v4, vm0, $0xb8;
	[tilespmem:$0x18280] =	vst v63  }
0xac: {  	s10 =	rddreg [dreg:$0x8]  }
0xad: {  	[tilespmem:s10], [sflag:$0x2] =	stream.indirect_vreg.gather [hbm4b:s1+s3], $0x80, v3, vm0, $0xb8;
	[tilespmem:$0x18280] =	vst v63  }
0xae: {  	v3 =	vld [tilespmem:$0xD0];
	_ =	sdelay $0x4  }
0xaf: {  	v41 =	vshll.u32 v3, $0x1  }
0xb0: {  	v3 =	vand.u32 $0x7, v3;
	v4 =	vand.u32 $0xFFFFFFF0, v41  }
0xb1: {  	v3 =	vor.u32 v3, v4  }
0xb2: {  	v4 =	vperm.xlane v3, v0;
	_ =	sdelay $0x1  }
0xb3: {  	v3 =	vperm.xlane v3, v2;
	v4 =	vadd.s32 v1, v4;
	_ =	sdelay $0x1  }
0xb4: {  	v3 =	vadd.s32 v1, v3;
	_ =	sdelay $0x1  }
0xb5: {  	s9 =	rddreg [dreg:$0x9]  }
0xb6: {  	[tilespmem:s9], [sflag:$0x2] =	stream.indirect_vreg.gather [hbm4b:s1+s3], $0x80, v4, vm0, $0xb8;
	[tilespmem:$0x18280] =	vst v63  }
0xb7: {  	s10 =	rddreg [dreg:$0xa]  }
0xb8: {  	[tilespmem:s10], [sflag:$0x2] =	stream.indirect_vreg.gather [hbm4b:s1+s3], $0x80, v3, vm0, $0xb8;
	[tilespmem:$0x18280] =	vst v63  }
0xb9: {  	v3 =	vld [tilespmem:$0xE0];
	_ =	sdelay $0x4  }
0xba: {  	v42 =	vshll.u32 v3, $0x1  }
0xbb: {  	v3 =	vand.u32 $0x7, v3;
	v4 =	vand.u32 $0xFFFFFFF0, v42  }
0xbc: {  	v3 =	vor.u32 v3, v4  }
0xbd: {  	v4 =	vperm.xlane v3, v0;
	_ =	sdelay $0x1  }
0xbe: {  	v3 =	vperm.xlane v3, v2;
	v4 =	vadd.s32 v1, v4;
	_ =	sdelay $0x1  }
0xbf: {  	v3 =	vadd.s32 v1, v3;
	_ =	sdelay $0x1  }
0xc0: {  	s9 =	rddreg [dreg:$0xb]  }
0xc1: {  	[tilespmem:s9], [sflag:$0x2] =	stream.indirect_vreg.gather [hbm4b:s1+s3], $0x80, v4, vm0, $0xb8;
	[tilespmem:$0x18280] =	vst v63  }
0xc2: {  	s10 =	rddreg [dreg:$0xc]  }
0xc3: {  	[tilespmem:s10], [sflag:$0x2] =	stream.indirect_vreg.gather [hbm4b:s1+s3], $0x80, v3, vm0, $0xb8;
	[tilespmem:$0x18280] =	vst v63  }
0xc4: {  	v3 =	vld [tilespmem:$0xF0];
	_ =	sdelay $0x4  }
0xc5: {  	v43 =	vshll.u32 v3, $0x1  }
0xc6: {  	v3 =	vand.u32 $0x7, v3;
	v4 =	vand.u32 $0xFFFFFFF0, v43  }
0xc7: {  	v3 =	vor.u32 v3, v4  }
0xc8: {  	v4 =	vperm.xlane v3, v0;
	_ =	sdelay $0x1  }
0xc9: {  	v3 =	vperm.xlane v3, v2;
	v4 =	vadd.s32 v1, v4;
	_ =	sdelay $0x1  }
0xca: {  	v3 =	vadd.s32 v1, v3;
	_ =	sdelay $0x1  }
0xcb: {  	s9 =	rddreg [dreg:$0xd]  }
0xcc: {  	[tilespmem:s9], [sflag:$0x2] =	stream.indirect_vreg.gather [hbm4b:s1+s3], $0x80, v4, vm0, $0xb8;
	[tilespmem:$0x18280] =	vst v63  }
0xcd: {  	s10 =	rddreg [dreg:$0xe]  }
0xce: {  	[tilespmem:s10], [sflag:$0x2] =	stream.indirect_vreg.gather [hbm4b:s1+s3], $0x80, v3, vm0, $0xb8;
	[tilespmem:$0x18280] =	vst v63  }
0xcf: {  	v3 =	vld [tilespmem:$0x100];
	_ =	sdelay $0x4  }
0xd0: {  	v44 =	vshll.u32 v3, $0x1  }
0xd1: {  	v3 =	vand.u32 $0x7, v3;
	v4 =	vand.u32 $0xFFFFFFF0, v44  }
0xd2: {  	v3 =	vor.u32 v3, v4  }
0xd3: {  	v4 =	vperm.xlane v3, v0;
	_ =	sdelay $0x1  }
0xd4: {  	v3 =	vperm.xlane v3, v2;
	v4 =	vadd.s32 v1, v4;
	_ =	sdelay $0x1  }
0xd5: {  	v3 =	vadd.s32 v1, v3;
	_ =	sdelay $0x1  }
0xd6: {  	s9 =	rddreg [dreg:$0xf]  }
0xd7: {  	[tilespmem:s9], [sflag:$0x2] =	stream.indirect_vreg.gather [hbm4b:s1+s3], $0x80, v4, vm0, $0xb8;
	[tilespmem:$0x18280] =	vst v63  }
0xd8: {  	s10 =	rddreg [dreg:$0x10]  }
0xd9: {  	[tilespmem:s10], [sflag:$0x2] =	stream.indirect_vreg.gather [hbm4b:s1+s3], $0x80, v3, vm0, $0xb8;
	[tilespmem:$0x18280] =	vst v63  }
0xda: {  	v3 =	vld [tilespmem:$0x110];
	_ =	sdelay $0x4  }
0xdb: {  	v45 =	vshll.u32 v3, $0x1  }
0xdc: {  	v3 =	vand.u32 $0x7, v3;
	v4 =	vand.u32 $0xFFFFFFF0, v45  }
0xdd: {  	v3 =	vor.u32 v3, v4  }
0xde: {  	v4 =	vperm.xlane v3, v0;
	_ =	sdelay $0x1  }
0xdf: {  	v3 =	vperm.xlane v3, v2;
	v4 =	vadd.s32 v1, v4;
	_ =	sdelay $0x1  }
0xe0: {  	v3 =	vadd.s32 v1, v3;
	_ =	sdelay $0x1  }
0xe1: {  	s9 =	rddreg [dreg:$0x11]  }
0xe2: {  	[tilespmem:s9], [sflag:$0x2] =	stream.indirect_vreg.gather [hbm4b:s1+s3], $0x80, v4, vm0, $0xb8;
	[tilespmem:$0x18280] =	vst v63  }
0xe3: {  	s10 =	rddreg [dreg:$0x12]  }
0xe4: {  	[tilespmem:s10], [sflag:$0x2] =	stream.indirect_vreg.gather [hbm4b:s1+s3], $0x80, v3, vm0, $0xb8;
	[tilespmem:$0x18280] =	vst v63  }
0xe5: {  	v3 =	vld [tilespmem:$0x120];
	_ =	sdelay $0x4  }
0xe6: {  	v46 =	vshll.u32 v3, $0x1  }
0xe7: {  	v3 =	vand.u32 $0x7, v3;
	v4 =	vand.u32 $0xFFFFFFF0, v46  }
0xe8: {  	v3 =	vor.u32 v3, v4  }
0xe9: {  	v4 =	vperm.xlane v3, v0;
	_ =	sdelay $0x1  }
0xea: {  	v3 =	vperm.xlane v3, v2;
	v4 =	vadd.s32 v1, v4;
	_ =	sdelay $0x1  }
0xeb: {  	v3 =	vadd.s32 v1, v3;
	_ =	sdelay $0x1  }
0xec: {  	s9 =	rddreg [dreg:$0x13]  }
0xed: {  	[tilespmem:s9], [sflag:$0x2] =	stream.indirect_vreg.gather [hbm4b:s1+s3], $0x80, v4, vm0, $0xb8;
	[tilespmem:$0x18280] =	vst v63  }
0xee: {  	s10 =	rddreg [dreg:$0x14]  }
0xef: {  	[tilespmem:s10], [sflag:$0x2] =	stream.indirect_vreg.gather [hbm4b:s1+s3], $0x80, v3, vm0, $0xb8;
	[tilespmem:$0x18280] =	vst v63  }
0xf0: {  	v3 =	vld [tilespmem:$0x130];
	_ =	sdelay $0x4  }
0xf1: {  	v47 =	vshll.u32 v3, $0x1  }
0xf2: {  	v3 =	vand.u32 $0x7, v3;
	v4 =	vand.u32 $0xFFFFFFF0, v47  }
0xf3: {  	v3 =	vor.u32 v3, v4  }
0xf4: {  	v4 =	vperm.xlane v3, v0;
	_ =	sdelay $0x1  }
0xf5: {  	v3 =	vperm.xlane v3, v2;
	v4 =	vadd.s32 v1, v4;
	_ =	sdelay $0x1  }
0xf6: {  	v3 =	vadd.s32 v1, v3;
	_ =	sdelay $0x1  }
0xf7: {  	s9 =	rddreg [dreg:$0x15]  }
0xf8: {  	[tilespmem:s9], [sflag:$0x2] =	stream.indirect_vreg.gather [hbm4b:s1+s3], $0x80, v4, vm0, $0xb8;
	[tilespmem:$0x18280] =	vst v63  }
0xf9: {  	s10 =	rddreg [dreg:$0x16]  }
0xfa: {  	[tilespmem:s10], [sflag:$0x2] =	stream.indirect_vreg.gather [hbm4b:s1+s3], $0x80, v3, vm0, $0xb8;
	[tilespmem:$0x18280] =	vst v63  }
0xfb: {  	v3 =	vld [tilespmem:$0x140];
	_ =	sdelay $0x4  }
0xfc: {  	v48 =	vshll.u32 v3, $0x1  }
0xfd: {  	v3 =	vand.u32 $0x7, v3;
	v4 =	vand.u32 $0xFFFFFFF0, v48  }
0xfe: {  	v3 =	vor.u32 v3, v4  }
0xff: {  	v4 =	vperm.xlane v3, v0;
	_ =	sdelay $0x1  }
0x100: {  	v3 =	vperm.xlane v3, v2;
	v4 =	vadd.s32 v1, v4;
	_ =	sdelay $0x1  }
0x101: {  	v3 =	vadd.s32 v1, v3;
	_ =	sdelay $0x1  }
0x102: {  	s9 =	rddreg [dreg:$0x17]  }
0x103: {  	[tilespmem:s9], [sflag:$0x2] =	stream.indirect_vreg.gather [hbm4b:s1+s3], $0x80, v4, vm0, $0xb8;
	[tilespmem:$0x18280] =	vst v63  }
0x104: {  	s10 =	rddreg [dreg:$0x18]  }
0x105: {  	[tilespmem:s10], [sflag:$0x2] =	stream.indirect_vreg.gather [hbm4b:s1+s3], $0x80, v3, vm0, $0xb8;
	[tilespmem:$0x18280] =	vst v63  }
0x106: {  	v3 =	vld [tilespmem:$0x150];
	_ =	sdelay $0x4  }
0x107: {  	v49 =	vshll.u32 v3, $0x1  }
0x108: {  	v3 =	vand.u32 $0x7, v3;
	v4 =	vand.u32 $0xFFFFFFF0, v49  }
0x109: {  	v3 =	vor.u32 v3, v4  }
0x10a: {  	v4 =	vperm.xlane v3, v0;
	_ =	sdelay $0x1  }
0x10b: {  	v3 =	vperm.xlane v3, v2;
	v4 =	vadd.s32 v1, v4;
	_ =	sdelay $0x1  }
0x10c: {  	v3 =	vadd.s32 v1, v3;
	_ =	sdelay $0x1  }
0x10d: {  	s9 =	rddreg [dreg:$0x19]  }
0x10e: {  	[tilespmem:s9], [sflag:$0x2] =	stream.indirect_vreg.gather [hbm4b:s1+s3], $0x80, v4, vm0, $0xb8;
	[tilespmem:$0x18280] =	vst v63  }
0x10f: {  	s10 =	rddreg [dreg:$0x1a]  }
0x110: {  	[tilespmem:s10], [sflag:$0x2] =	stream.indirect_vreg.gather [hbm4b:s1+s3], $0x80, v3, vm0, $0xb8;
	[tilespmem:$0x18280] =	vst v63  }
0x111: {  	v3 =	vld [tilespmem:$0x160];
	_ =	sdelay $0x4  }
0x112: {  	v50 =	vshll.u32 v3, $0x1  }
0x113: {  	v3 =	vand.u32 $0x7, v3;
	v4 =	vand.u32 $0xFFFFFFF0, v50  }
0x114: {  	v3 =	vor.u32 v3, v4  }
0x115: {  	v4 =	vperm.xlane v3, v0;
	_ =	sdelay $0x1  }
0x116: {  	v3 =	vperm.xlane v3, v2;
	v4 =	vadd.s32 v1, v4;
	_ =	sdelay $0x1  }
0x117: {  	v3 =	vadd.s32 v1, v3;
	_ =	sdelay $0x1  }
0x118: {  	s9 =	rddreg [dreg:$0x1b]  }
0x119: {  	[tilespmem:s9], [sflag:$0x2] =	stream.indirect_vreg.gather [hbm4b:s1+s3], $0x80, v4, vm0, $0xb8;
	[tilespmem:$0x18280] =	vst v63  }
0x11a: {  	s10 =	rddreg [dreg:$0x1c]  }
0x11b: {  	[tilespmem:s10], [sflag:$0x2] =	stream.indirect_vreg.gather [hbm4b:s1+s3], $0x80, v3, vm0, $0xb8;
	[tilespmem:$0x18280] =	vst v63  }
0x11c: {  	v3 =	vld [tilespmem:$0x170];
	_ =	sdelay $0x4  }
0x11d: {  	v51 =	vshll.u32 v3, $0x1  }
0x11e: {  	v3 =	vand.u32 $0x7, v3;
	v4 =	vand.u32 $0xFFFFFFF0, v51  }
0x11f: {  	v3 =	vor.u32 v3, v4  }
0x120: {  	v4 =	vperm.xlane v3, v0;
	_ =	sdelay $0x1  }
0x121: {  	v3 =	vperm.xlane v3, v2;
	v4 =	vadd.s32 v1, v4;
	_ =	sdelay $0x1  }
0x122: {  	v3 =	vadd.s32 v1, v3;
	_ =	sdelay $0x1  }
0x123: {  	s9 =	rddreg [dreg:$0x1d]  }
0x124: {  	[tilespmem:s9], [sflag:$0x2] =	stream.indirect_vreg.gather [hbm4b:s1+s3], $0x80, v4, vm0, $0xb8;
	[tilespmem:$0x18280] =	vst v63  }
0x125: {  	s10 =	rddreg [dreg:$0x1e]  }
0x126: {  	[tilespmem:s10], [sflag:$0x2] =	stream.indirect_vreg.gather [hbm4b:s1+s3], $0x80, v3, vm0, $0xb8;
	[tilespmem:$0x18280] =	vst v63  }
0x127: {  	_ =	swait.ge [sflag:s2], $0xC000  }
0x128: {  	[sflag:s2] =	ssyncset.done $0x0  }
0x129: {  	s10 =	rddreg [dreg:$0x5];
	[sflag:s2] =	ssyncadd.s32 $0xFFFF4000  }
0x12a: {  	[hbm4b:s10+s3] =	stream.linear.scatter [tilespmem:s5], [sflag:$0x3], $0xC000, $0x38;
	[tilespmem:$0x18280] =	vst v63  }
0x12b: {  	_ =	swait.ge [sflag:s0], $0xC000  }
0x12c: {  	[sflag:s0] =	ssyncset.done $0x0  }
0x12d: {  	[sflag:s0] =	ssyncadd.s32 $0xFFFF4000  }
0x12e: {  	v3 =	vld [tilespmem:$0x180];
	_ =	sdelay $0x4  }
0x12f: {  	v52 =	vshll.u32 v3, $0x1  }
0x130: {  	v3 =	vand.u32 $0x7, v3;
	v4 =	vand.u32 $0xFFFFFFF0, v52  }
0x131: {  	v3 =	vor.u32 v3, v4  }
0x132: {  	v4 =	vperm.xlane v3, v0;
	_ =	sdelay $0x1  }
0x133: {  	v3 =	vperm.xlane v3, v2;
	v4 =	vadd.s32 v1, v4;
	_ =	sdelay $0x1  }
0x134: {  	v3 =	vadd.s32 v1, v3;
	_ =	sdelay $0x2  }
0x135: {  	[tilespmem:s5], [sflag:$0x1] =	stream.indirect_vreg.gather [hbm4b:s1+s3], $0x80, v4, vm0, $0xb8;
	[tilespmem:$0x18280] =	vst v63  }
0x136: {  	_ = 	snop  }
0x137: {  	[tilespmem:s11], [sflag:$0x1] =	stream.indirect_vreg.gather [hbm4b:s1+s3], $0x80, v3, vm0, $0xb8;
	[tilespmem:$0x18280] =	vst v63  }
0x138: {  	v3 =	vld [tilespmem:$0x190];
	_ =	sdelay $0x4  }
0x139: {  	v53 =	vshll.u32 v3, $0x1  }
0x13a: {  	v3 =	vand.u32 $0x7, v3;
	v4 =	vand.u32 $0xFFFFFFF0, v53  }
0x13b: {  	v3 =	vor.u32 v3, v4  }
0x13c: {  	v4 =	vperm.xlane v3, v0;
	_ =	sdelay $0x1  }
0x13d: {  	v3 =	vperm.xlane v3, v2;
	v4 =	vadd.s32 v1, v4;
	_ =	sdelay $0x1  }
0x13e: {  	v3 =	vadd.s32 v1, v3;
	_ =	sdelay $0x2  }
0x13f: {  	[tilespmem:s12], [sflag:$0x1] =	stream.indirect_vreg.gather [hbm4b:s1+s3], $0x80, v4, vm0, $0xb8;
	[tilespmem:$0x18280] =	vst v63  }
0x140: {  	_ = 	snop  }
0x141: {  	[tilespmem:s13], [sflag:$0x1] =	stream.indirect_vreg.gather [hbm4b:s1+s3], $0x80, v3, vm0, $0xb8;
	[tilespmem:$0x18280] =	vst v63  }
0x142: {  	v3 =	vld [tilespmem:$0x1A0];
	_ =	sdelay $0x4  }
0x143: {  	v54 =	vshll.u32 v3, $0x1  }
0x144: {  	v3 =	vand.u32 $0x7, v3;
	v4 =	vand.u32 $0xFFFFFFF0, v54  }
0x145: {  	v3 =	vor.u32 v3, v4  }
0x146: {  	v4 =	vperm.xlane v3, v0;
	_ =	sdelay $0x1  }
0x147: {  	v3 =	vperm.xlane v3, v2;
	v4 =	vadd.s32 v1, v4;
	_ =	sdelay $0x1  }
0x148: {  	v3 =	vadd.s32 v1, v3;
	_ =	sdelay $0x2  }
0x149: {  	[tilespmem:s14], [sflag:$0x1] =	stream.indirect_vreg.gather [hbm4b:s1+s3], $0x80, v4, vm0, $0xb8;
	[tilespmem:$0x18280] =	vst v63  }
0x14a: {  	_ = 	snop  }
0x14b: {  	[tilespmem:s15], [sflag:$0x1] =	stream.indirect_vreg.gather [hbm4b:s1+s3], $0x80, v3, vm0, $0xb8;
	[tilespmem:$0x18280] =	vst v63  }
0x14c: {  	v3 =	vld [tilespmem:$0x1B0];
	_ =	sdelay $0x4  }
0x14d: {  	v55 =	vshll.u32 v3, $0x1  }
0x14e: {  	v3 =	vand.u32 $0x7, v3;
	v4 =	vand.u32 $0xFFFFFFF0, v55  }
0x14f: {  	v3 =	vor.u32 v3, v4  }
0x150: {  	v4 =	vperm.xlane v3, v0;
	_ =	sdelay $0x1  }
0x151: {  	v3 =	vperm.xlane v3, v2;
	v4 =	vadd.s32 v1, v4;
	_ =	sdelay $0x1  }
0x152: {  	v3 =	vadd.s32 v1, v3;
	_ =	sdelay $0x2  }
0x153: {  	[tilespmem:s16], [sflag:$0x1] =	stream.indirect_vreg.gather [hbm4b:s1+s3], $0x80, v4, vm0, $0xb8;
	[tilespmem:$0x18280] =	vst v63  }
0x154: {  	_ = 	snop  }
0x155: {  	[tilespmem:s17], [sflag:$0x1] =	stream.indirect_vreg.gather [hbm4b:s1+s3], $0x80, v3, vm0, $0xb8;
	[tilespmem:$0x18280] =	vst v63  }
0x156: {  	v3 =	vld [tilespmem:$0x1C0];
	_ =	sdelay $0x4  }
0x157: {  	v56 =	vshll.u32 v3, $0x1  }
0x158: {  	v3 =	vand.u32 $0x7, v3;
	v4 =	vand.u32 $0xFFFFFFF0, v56  }
0x159: {  	v3 =	vor.u32 v3, v4  }
0x15a: {  	v4 =	vperm.xlane v3, v0;
	_ =	sdelay $0x1  }
0x15b: {  	v3 =	vperm.xlane v3, v2;
	v4 =	vadd.s32 v1, v4;
	_ =	sdelay $0x1  }
0x15c: {  	v3 =	vadd.s32 v1, v3;
	_ =	sdelay $0x2  }
0x15d: {  	[tilespmem:s18], [sflag:$0x1] =	stream.indirect_vreg.gather [hbm4b:s1+s3], $0x80, v4, vm0, $0xb8;
	[tilespmem:$0x18280] =	vst v63  }
0x15e: {  	_ = 	snop  }
0x15f: {  	[tilespmem:s19], [sflag:$0x1] =	stream.indirect_vreg.gather [hbm4b:s1+s3], $0x80, v3, vm0, $0xb8;
	[tilespmem:$0x18280] =	vst v63  }
0x160: {  	v3 =	vld [tilespmem:$0x1D0];
	_ =	sdelay $0x4  }
0x161: {  	v57 =	vshll.u32 v3, $0x1  }
0x162: {  	v3 =	vand.u32 $0x7, v3;
	v4 =	vand.u32 $0xFFFFFFF0, v57  }
0x163: {  	v3 =	vor.u32 v3, v4  }
0x164: {  	v4 =	vperm.xlane v3, v0;
	_ =	sdelay $0x1  }
0x165: {  	v3 =	vperm.xlane v3, v2;
	v4 =	vadd.s32 v1, v4;
	_ =	sdelay $0x1  }
0x166: {  	v3 =	vadd.s32 v1, v3;
	_ =	sdelay $0x2  }
0x167: {  	[tilespmem:s20], [sflag:$0x1] =	stream.indirect_vreg.gather [hbm4b:s1+s3], $0x80, v4, vm0, $0xb8;
	[tilespmem:$0x18280] =	vst v63  }
0x168: {  	_ = 	snop  }
0x169: {  	[tilespmem:s21], [sflag:$0x1] =	stream.indirect_vreg.gather [hbm4b:s1+s3], $0x80, v3, vm0, $0xb8;
	[tilespmem:$0x18280] =	vst v63  }
0x16a: {  	v3 =	vld [tilespmem:$0x1E0];
	_ =	sdelay $0x4  }
0x16b: {  	v58 =	vshll.u32 v3, $0x1  }
0x16c: {  	v3 =	vand.u32 $0x7, v3;
	v4 =	vand.u32 $0xFFFFFFF0, v58  }
0x16d: {  	v3 =	vor.u32 v3, v4  }
0x16e: {  	v4 =	vperm.xlane v3, v0;
	_ =	sdelay $0x1  }
0x16f: {  	v3 =	vperm.xlane v3, v2;
	v4 =	vadd.s32 v1, v4;
	_ =	sdelay $0x1  }
0x170: {  	v3 =	vadd.s32 v1, v3;
	_ =	sdelay $0x2  }
0x171: {  	[tilespmem:s22], [sflag:$0x1] =	stream.indirect_vreg.gather [hbm4b:s1+s3], $0x80, v4, vm0, $0xb8;
	[tilespmem:$0x18280] =	vst v63  }
0x172: {  	_ = 	snop  }
0x173: {  	[tilespmem:s23], [sflag:$0x1] =	stream.indirect_vreg.gather [hbm4b:s1+s3], $0x80, v3, vm0, $0xb8;
	[tilespmem:$0x18280] =	vst v63  }
0x174: {  	v3 =	vld [tilespmem:$0x1F0];
	_ =	sdelay $0x4  }
0x175: {  	v59 =	vshll.u32 v3, $0x1  }
0x176: {  	v3 =	vand.u32 $0x7, v3;
	v4 =	vand.u32 $0xFFFFFFF0, v59  }
0x177: {  	v3 =	vor.u32 v3, v4  }
0x178: {  	v4 =	vperm.xlane v3, v0;
	_ =	sdelay $0x1  }
0x179: {  	v3 =	vperm.xlane v3, v2;
	v4 =	vadd.s32 v1, v4;
	_ =	sdelay $0x1  }
0x17a: {  	v3 =	vadd.s32 v1, v3;
	_ =	sdelay $0x2  }
0x17b: {  	[tilespmem:s24], [sflag:$0x1] =	stream.indirect_vreg.gather [hbm4b:s1+s3], $0x80, v4, vm0, $0xb8;
	[tilespmem:$0x18280] =	vst v63  }
0x17c: {  	_ = 	snop  }
0x17d: {  	[tilespmem:s25], [sflag:$0x1] =	stream.indirect_vreg.gather [hbm4b:s1+s3], $0x80, v3, vm0, $0xb8;
	[tilespmem:$0x18280] =	vst v63  }
0x17e: {  	v3 =	vld [tilespmem:$0x200];
	_ =	sdelay $0x4  }
0x17f: {  	v60 =	vshll.u32 v3, $0x1  }
0x180: {  	v3 =	vand.u32 $0x7, v3;
	v4 =	vand.u32 $0xFFFFFFF0, v60  }
0x181: {  	v3 =	vor.u32 v3, v4  }
0x182: {  	v4 =	vperm.xlane v3, v0;
	_ =	sdelay $0x1  }
0x183: {  	v3 =	vperm.xlane v3, v2;
	v4 =	vadd.s32 v1, v4;
	_ =	sdelay $0x1  }
0x184: {  	v3 =	vadd.s32 v1, v3;
	_ =	sdelay $0x2  }
0x185: {  	[tilespmem:s26], [sflag:$0x1] =	stream.indirect_vreg.gather [hbm4b:s1+s3], $0x80, v4, vm0, $0xb8;
	[tilespmem:$0x18280] =	vst v63  }
0x186: {  	_ = 	snop  }
0x187: {  	[tilespmem:s28], [sflag:$0x1] =	stream.indirect_vreg.gather [hbm4b:s1+s3], $0x80, v3, vm0, $0xb8;
	[tilespmem:$0x18280] =	vst v63  }
0x188: {  	v3 =	vld [tilespmem:$0x210];
	_ =	sdelay $0x4  }
0x189: {  	v61 =	vshll.u32 v3, $0x1  }
0x18a: {  	v3 =	vand.u32 $0x7, v3;
	v4 =	vand.u32 $0xFFFFFFF0, v61  }
0x18b: {  	v3 =	vor.u32 v3, v4  }
0x18c: {  	v4 =	vperm.xlane v3, v0;
	_ =	sdelay $0x1  }
0x18d: {  	v3 =	vperm.xlane v3, v2;
	v4 =	vadd.s32 v1, v4;
	_ =	sdelay $0x1  }
0x18e: {  	v3 =	vadd.s32 v1, v3;
	_ =	sdelay $0x2  }
0x18f: {  	[tilespmem:s29], [sflag:$0x1] =	stream.indirect_vreg.gather [hbm4b:s1+s3], $0x80, v4, vm0, $0xb8;
	[tilespmem:$0x18280] =	vst v63  }
0x190: {  	_ = 	snop  }
0x191: {  	[tilespmem:s30], [sflag:$0x1] =	stream.indirect_vreg.gather [hbm4b:s1+s3], $0x80, v3, vm0, $0xb8;
	[tilespmem:$0x18280] =	vst v63  }
0x192: {  	v3 =	vld [tilespmem:$0x220];
	_ =	sdelay $0x4  }
0x193: {  	v62 =	vshll.u32 v3, $0x1  }
0x194: {  	v3 =	vand.u32 $0x7, v3;
	v4 =	vand.u32 $0xFFFFFFF0, v62  }
0x195: {  	v3 =	vor.u32 v3, v4  }
0x196: {  	v4 =	vperm.xlane v3, v0;
	_ =	sdelay $0x1  }
0x197: {  	v3 =	vperm.xlane v3, v2;
	v4 =	vadd.s32 v1, v4;
	_ =	sdelay $0x1  }
0x198: {  	v3 =	vadd.s32 v1, v3;
	_ =	sdelay $0x2  }
0x199: {  	[tilespmem:s31], [sflag:$0x1] =	stream.indirect_vreg.gather [hbm4b:s1+s3], $0x80, v4, vm0, $0xb8;
	[tilespmem:$0x18280] =	vst v63  }
0x19a: {  	s10 =	simm.s32 $0xAA80  }
0x19b: {  	[tilespmem:s10], [sflag:$0x1] =	stream.indirect_vreg.gather [hbm4b:s1+s3], $0x80, v3, vm0, $0xb8;
	[tilespmem:$0x18280] =	vst v63  }
0x19c: {  	v3 =	vld [tilespmem:$0x230];
	_ =	sdelay $0x4  }
0x19d: {  	v63 =	vshll.u32 v3, $0x1  }
0x19e: {  	v3 =	vand.u32 $0x7, v3;
	v4 =	vand.u32 $0xFFFFFFF0, v63  }
0x19f: {  	v3 =	vor.u32 v3, v4  }
0x1a0: {  	v4 =	vperm.xlane v3, v0;
	_ =	sdelay $0x1  }
0x1a1: {  	v3 =	vperm.xlane v3, v2;
	v4 =	vadd.s32 v1, v4;
	_ =	sdelay $0x1  }
0x1a2: {  	v3 =	vadd.s32 v1, v3;
	_ =	sdelay $0x2  }
0x1a3: {  	[tilespmem:s7], [sflag:$0x1] =	stream.indirect_vreg.gather [hbm4b:s1+s3], $0x80, v4, vm0, $0xb8;
	[tilespmem:$0x18280] =	vst v63  }
0x1a4: {  	s9 =	simm.s32 $0x2  }
0x1a5: {  	[tilespmem:s8], [sflag:$0x1] =	stream.indirect_vreg.gather [hbm4b:s1+s3], $0x80, v3, vm0, $0xb8;
	[tilespmem:$0x18280] =	vst v63  }
0x1a6: {  	_ =	swait.ge [sflag:s9], $0xC000  }
0x1a7: {  	[sflag:s9] =	ssyncset.done $0x0  }
0x1a8: {  	s10 =	rddreg [dreg:$0x6];
	[sflag:s9] =	ssyncadd.s32 $0xFFFF4000  }
0x1a9: {  	[hbm4b:s10+s3] =	stream.linear.scatter [tilespmem:s6], [sflag:$0x4], $0xC000, $0x38;
	[tilespmem:$0x18280] =	vst v63  }
0x1aa: {  	_ =	swait.ge [sflag:s2], $0xC000  }
0x1ab: {  	[sflag:s2] =	ssyncset.done $0x0  }
0x1ac: {  	s10 =	simm.s32 $0x4;
	s7 =	rddreg [dreg:$0x7];
	[sflag:s2] =	ssyncadd.s32 $0xFFFF4000  }
0x1ad: {  	[hbm4b:s7+s3] =	stream.linear.scatter [tilespmem:s5], [sflag:$0x3], $0xC000, $0x38;
	[tilespmem:$0x18280] =	vst v63  }
0x1ae: {  	p0 =	sne.s32 s4, $0x1;
	_ =	swait.ge [sflag:s10], $0xC000  }
.Ltmp0:
0x1af: {  	[sflag:s10] =	ssyncset.done $0x0;
	(pc) =	sbr.rel @p0 .LBB2_1-.Ltmp0, $4  }
0x1b0: {  	[sflag:s10] =	ssyncadd.s32 $0xFFFF4000  }
0x1b1: {  	_ =	swait.ge [sflag:s0], $0xC000  }
0x1b2: {  	[sflag:s0] =	ssyncset.done $0x0  }
0x1b3: {  	s4 =	sadd.s32 $0xFFFFFFFF, s4;
	[sflag:s0] =	ssyncadd.s32 $0xFFFF4000  }
0x1b4: {  	_ =	sfence.sel $0x180000  }
0x1b5: {  	[bflag:$0x0] =	sbarrier.arrive $0xFFFF  }
0x1b6: {  	_ =	strace $0x90000047  }
0x1b7: {  	s0 =	stileid.u32;
	[bflag:$0x2] =	sbarrier.arrive $0xFFFF  }
0x1b8: {  	p0 =	sne.s32 s0, $0x0;
	s0 =	rddreg [dreg:$0x3]  }
0x1b9: {  	s0 =	sadd.s32 @!p0 $0x100000, s0  }
0x1ba: {  	[sflag:s0] =	ssyncadd.tile.s32 @!p0 $0x1;
	_ =	shalt  }
.Lfunc_end2:
_tile_overlayer_lowered:
.L_overlay_start_2:
0x1bb: {  	(tag) =	ssettag $0x2  }
0x1bc: {  	s0 =	rddreg [dreg:$0x0];
	s2 =	stileid.u32  }
0x1bd: {  	s1 =	rddreg [dreg:$0x1];
	p0 =	sne.s32 s2, $0x0  }
0x1be: {  	s3 =	rddreg [dreg:$0x2];
	[bflag:$0x3] =	sbarrier.arrive $0xFFFF;
	s2 =	simm.s32 @!p0 $0x1C05  }
0x1bf: {  	[timem:s3], [sflag:s2] =	dma.local @!p0 [hbm:s0], s1  }
0x1c0: {  	s0 =	simm.s32 @!p0 $0x5  }
0x1c1: {  	_ =	swait.ge @!p0 [sflag:s0], s1  }
0x1c2: {  	s1 =	ssub.s32 @!p0 $0x0, s1;
	[sflag:s0] =	ssyncset.done @!p0 $0x0  }
0x1c3: {  	[sflag:s0] =	ssyncadd.s32 @!p0 s1  }
0x1c4: {  	[bflag:$0x3] =	sbarrier.arrive $0xFFFF  }
0x1c5: {  	_ =	shalt  }

</sc_bundles>
